<compile_context>
chip_gen: v7x
topology: tpu7x:2x2x1
jax: 0.10.2.dev20260603
libtpu: 0.0.44.dev20260713+nightly
codegen_flags: <defaults>
</compile_context>

<pallas_src>
import functools

import jax
import jax.numpy as jnp
from jax import lax
from jax.experimental import pallas as pl
from jax.experimental.pallas import tpu as pltpu
from jax.experimental.pallas import tpu_sc as plsc

INPUT_SIZE = 1024
OUTPUT_SIZE = 1024
NUM_CELLS = 16
TOP_K = 2
BATCH = 32
FEAT = INPUT_SIZE + OUTPUT_SIZE
HALF = OUTPUT_SIZE // 2
_NEG_INF = float("-inf")



def _sc_gate_body(feats_hbm, wt_hbm, bt_hbm, out_hbm, wrow_v, frow_v, bt_v,
                  gate_v):
    ncores = 2
    wid = lax.axis_index("s") * ncores + lax.axis_index("c")

    pltpu.sync_copy(wt_hbm, wrow_v)
    pltpu.sync_copy(feats_hbm.at[wid], frow_v)
    pltpu.sync_copy(bt_hbm, bt_v)

    def mac(k, acc):
        fv = frow_v[pl.ds(16 * k, 16)]
        for u in range(16):
            acc = acc + fv[u] * wrow_v[pl.ds((16 * k + u) * NUM_CELLS, 16)]
        return acc

    logits = lax.fori_loop(0, FEAT // 16, mac,
                           jnp.zeros((NUM_CELLS,), jnp.float32))
    logits = logits + bt_v[...]
    lanes = lax.iota(jnp.int32, NUM_CELLS)

    def vmax(v):
        m = jnp.zeros_like(v) + v[0]
        for u in range(1, NUM_CELLS):
            m = jnp.maximum(m, v[u])
        return m

    def first_argmax_onehot(v):
        m = vmax(v)
        iv = jnp.where(v == m, lanes, NUM_CELLS)
        im = jnp.zeros_like(iv) + iv[0]
        for u in range(1, NUM_CELLS):
            im = jnp.minimum(im, iv[u])
        return lanes == im, m

    oh1, m1 = first_argmax_onehot(logits)
    masked = jnp.where(oh1, _NEG_INF, logits)
    oh2, m2 = first_argmax_onehot(masked)
    d = jnp.exp(m2 - m1)
    p1 = 1.0 / (1.0 + d)
    p2 = d / (1.0 + d)
    gate_v[...] = jnp.where(oh1, p1, jnp.where(oh2, p2, 0.0))
    pltpu.sync_copy(gate_v, out_hbm.at[wid])


def _sc_gate(feats, W_topk, b_topk):
    mesh = plsc.VectorSubcoreMesh(core_axis_name="c", subcore_axis_name="s")
    return pl.kernel(
        _sc_gate_body,
        mesh=mesh,
        out_type=jax.ShapeDtypeStruct((BATCH, NUM_CELLS), jnp.float32),
        scratch_types=[
            pltpu.VMEM((FEAT * NUM_CELLS,), jnp.float32),
            pltpu.VMEM((FEAT,), jnp.float32),
            pltpu.VMEM((NUM_CELLS,), jnp.float32),
            pltpu.VMEM((NUM_CELLS,), jnp.float32),
        ],
    )(feats, W_topk.reshape(-1), b_topk)



NA = 4
NB = NUM_CELLS - NA


def _lstm_block(feats_ref, wi_ref, wj_ref, wf_ref, wo_ref, bg_ref, c_ref,
                half):
    feats = feats_ref[:, :]
    gi = jnp.dot(feats, wi_ref[:, :], preferred_element_type=jnp.float32)
    gj = jnp.dot(feats, wj_ref[:, :], preferred_element_type=jnp.float32)
    gf = jnp.dot(feats, wf_ref[:, :], preferred_element_type=jnp.float32)
    go = jnp.dot(feats, wo_ref[:, :], preferred_element_type=jnp.float32)

    def bias(g):
        return jnp.where(half == 0,
                         bg_ref[0, 2 * g:2 * g + 1, :],
                         bg_ref[0, 2 * g + 1:2 * g + 2, :])
    gi = gi + bias(0)
    gj = gj + bias(1)
    gf = gf + bias(2)
    go = go + bias(3)

    new_c = jax.nn.sigmoid(gf) * c_ref[:, :] + jax.nn.sigmoid(gi) * jnp.tanh(gj)
    new_h = jax.nn.sigmoid(go) * jnp.tanh(new_c)
    return new_c, new_h


def _gate_col(gate_ref, e):
    rows = jax.lax.broadcasted_iota(jnp.int32, (NUM_CELLS, 1), 0)
    onehot = (rows == e).astype(jnp.float32)
    return jnp.dot(gate_ref[:, :], onehot,
                   preferred_element_type=jnp.float32)


def _tca_body(feats_ref, wi_ref, wj_ref, wf_ref, wo_ref, bg_ref, c_ref,
              cc_ref, ch_ref):
    half = pl.program_id(0)
    new_c, new_h = _lstm_block(feats_ref, wi_ref, wj_ref, wf_ref, wo_ref,
                               bg_ref, c_ref, half)
    cc_ref[0, :, :] = new_c
    ch_ref[0, :, :] = new_h


def _tcb_body(feats_ref, wi_ref, wj_ref, wf_ref, wo_ref, bg_ref, gate_ref,
              c_ref, cca_ref, cha_ref, outc_ref, outh_ref):
    half = pl.program_id(0)
    e = pl.program_id(1)

    @pl.when(e == 0)
    def _init():
        acc_c = jnp.zeros_like(outc_ref)
        acc_h = jnp.zeros_like(outh_ref)
        for ep in range(NA):
            g = _gate_col(gate_ref, ep)
            acc_c += g * cca_ref[ep, :, :]
            acc_h += g * cha_ref[ep, :, :]
        outc_ref[:, :] = acc_c
        outh_ref[:, :] = acc_h

    new_c, new_h = _lstm_block(feats_ref, wi_ref, wj_ref, wf_ref, wo_ref,
                               bg_ref, c_ref, half)
    g = _gate_col(gate_ref, e + NA)
    outc_ref[:, :] += g * new_c
    outh_ref[:, :] += g * new_h


@jax.jit
def kernel(x, c, h, W_gates, b_gates, W_topk, b_topk):
    feats = jnp.concatenate([x, h], axis=-1)
    gate = _sc_gate(feats, W_topk, b_topk)
    bg = b_gates.reshape(NUM_CELLS, 8, HALF)

    wspec_a = lambda g: pl.BlockSpec(
        (FEAT, HALF), lambda m, e, g=g: (0, 2 * (4 * e + g) + m))
    wspec_b = lambda g: pl.BlockSpec(
        (FEAT, HALF), lambda m, e, g=g: (0, 2 * (4 * (e + NA) + g) + m))

    cc_a, ch_a = pl.pallas_call(
        _tca_body,
        grid=(2, NA),
        in_specs=[
            pl.BlockSpec((BATCH, FEAT), lambda m, e: (0, 0)),
            wspec_a(0), wspec_a(1), wspec_a(2), wspec_a(3),
            pl.BlockSpec((1, 8, HALF), lambda m, e: (e, 0, 0)),
            pl.BlockSpec((BATCH, HALF), lambda m, e: (0, m)),
        ],
        out_specs=[
            pl.BlockSpec((1, BATCH, HALF), lambda m, e: (e, 0, m)),
            pl.BlockSpec((1, BATCH, HALF), lambda m, e: (e, 0, m)),
        ],
        out_shape=[
            jax.ShapeDtypeStruct((NA, BATCH, OUTPUT_SIZE), jnp.float32),
            jax.ShapeDtypeStruct((NA, BATCH, OUTPUT_SIZE), jnp.float32),
        ],
        compiler_params=pltpu.CompilerParams(
            dimension_semantics=("arbitrary", "arbitrary"),
            vmem_limit_bytes=60 * 1024 * 1024,
        ),
    )(feats, W_gates, W_gates, W_gates, W_gates, bg, c)

    out_c, out_h = pl.pallas_call(
        _tcb_body,
        grid=(2, NB),
        in_specs=[
            pl.BlockSpec((BATCH, FEAT), lambda m, e: (0, 0)),
            wspec_b(0), wspec_b(1), wspec_b(2), wspec_b(3),
            pl.BlockSpec((1, 8, HALF), lambda m, e: (e + NA, 0, 0)),
            pl.BlockSpec((BATCH, NUM_CELLS), lambda m, e: (0, 0)),
            pl.BlockSpec((BATCH, HALF), lambda m, e: (0, m)),
            pl.BlockSpec((NA, BATCH, HALF), lambda m, e: (0, 0, m)),
            pl.BlockSpec((NA, BATCH, HALF), lambda m, e: (0, 0, m)),
        ],
        out_specs=[
            pl.BlockSpec((BATCH, HALF), lambda m, e: (0, m)),
            pl.BlockSpec((BATCH, HALF), lambda m, e: (0, m)),
        ],
        out_shape=[
            jax.ShapeDtypeStruct((BATCH, OUTPUT_SIZE), jnp.float32),
            jax.ShapeDtypeStruct((BATCH, OUTPUT_SIZE), jnp.float32),
        ],
        compiler_params=pltpu.CompilerParams(
            dimension_semantics=("arbitrary", "arbitrary"),
            vmem_limit_bytes=60 * 1024 * 1024,
        ),
    )(feats, W_gates, W_gates, W_gates, W_gates, bg, gate, c, cc_a, ch_a)

    return (out_h, (out_c, out_h))

# --- scband reference (transcript-rebuilt; emitter-appended) ---
"""Pipeline reference for scband-dynamic-lstmcell-67954972557602 (READ-ONLY COPY).

The authoritative reference and input builder live on the scoring server;
editing this copy changes nothing except your own understanding.
"""

import jax, jax.numpy as jnp
import numpy as np

INPUT_SIZE = 1024
OUTPUT_SIZE = 1024
NUM_CELLS = 16
TOP_K = 2
BATCH = 32


def setup_inputs(seed: int = 0) -> dict:
    key = jax.random.key(seed)
    ks = jax.random.split(key, 7)
    feat_dim = INPUT_SIZE + OUTPUT_SIZE
    x = jax.random.normal(ks[0], (BATCH, INPUT_SIZE), dtype=jnp.float32)
    c = jax.random.normal(ks[1], (BATCH, OUTPUT_SIZE), dtype=jnp.float32)
    h = jax.random.normal(ks[2], (BATCH, OUTPUT_SIZE), dtype=jnp.float32)
    W_gates = jax.random.normal(ks[3], (feat_dim, 4 * OUTPUT_SIZE * NUM_CELLS), dtype=jnp.float32) * 0.02
    b_gates = jnp.zeros((4 * OUTPUT_SIZE * NUM_CELLS,), dtype=jnp.float32)
    W_topk = jax.random.normal(ks[4], (feat_dim, NUM_CELLS), dtype=jnp.float32) * 0.02
    b_topk = jnp.zeros((NUM_CELLS,), dtype=jnp.float32)
    return {"x": x, "c": c, "h": h, "W_gates": W_gates, "b_gates": b_gates, "W_topk": W_topk, "b_topk": b_topk}


def top_k_softmax(logits, k, n):
    m = min(k + 1, n)
    top_logits, top_indices = jax.lax.top_k(logits, m)
    top_k_logits = top_logits[:, :k]
    top_k_indices = top_indices[:, :k]
    probs = jax.nn.softmax(top_k_logits, axis=-1)
    batch = logits.shape[0]
    out = jnp.zeros((batch, n), dtype=logits.dtype)
    rows = jnp.arange(batch)[:, None]
    out = out.at[rows, top_k_indices].add(probs)
    return out


def reference(x, c, h, W_gates, b_gates, W_topk, b_topk):
    feats = jnp.concatenate([x, h], axis=-1)
    logits = feats @ W_topk + b_topk
    gate = top_k_softmax(logits, TOP_K, NUM_CELLS)
    combined = feats @ W_gates + b_gates
    combined = combined.reshape(-1, NUM_CELLS, 4, OUTPUT_SIZE)
    i = combined[:, :, 0, :]
    j = combined[:, :, 1, :]
    f = combined[:, :, 2, :]
    o = combined[:, :, 3, :]
    i = jax.nn.sigmoid(i)
    f = jax.nn.sigmoid(f)
    o = jax.nn.sigmoid(o)
    new_c = f * c[:, None, :] + i * jnp.tanh(j)
    new_h = o * jnp.tanh(new_c)
    g = gate[:, None, :]
    new_c = jnp.squeeze(jnp.matmul(g, new_c), 1)
    new_h = jnp.squeeze(jnp.matmul(g, new_h), 1)
    return (new_h, (new_c, new_h))

if __name__ == "__main__":
    import jax
    _d = setup_inputs()
    print(jax.jit(kernel)(*tuple(_d.values())))

</pallas_src>

<mosaic_0001>
#map = affine_map<(d0, d1) -> (0, 0)>
#map1 = affine_map<(d0, d1) -> (0)>
module attributes {stable_mosaic.version = 14 : i64} {
  func.func @_sc_gate_body(%arg0: i32, %arg1: i32, %arg2: memref<32x2048xf32, #tpu.memory_space<hbm>>, %arg3: memref<32768xf32, #tpu.memory_space<hbm>>, %arg4: memref<16xf32, #tpu.memory_space<hbm>>, %arg5: memref<32x16xf32, #tpu.memory_space<hbm>>, %arg6: memref<32768xf32, #tpu.memory_space<vmem>>, %arg7: memref<2048xf32, #tpu.memory_space<vmem>>, %arg8: memref<16xf32, #tpu.memory_space<vmem>>, %arg9: memref<16xf32, #tpu.memory_space<vmem>>) attributes {dimension_semantics = [#tpu.dimension_semantics<core_parallel>, #tpu.dimension_semantics<subcore_parallel>], iteration_bounds = array<i64: 2, 16>, scalar_prefetch = 0 : i64, scratch_operands = 4 : i64, tpu.core_type = #tpu.core_type<sc_vector_subcore>, window_params = [{transform_indices = #map}, {transform_indices = #map1}, {transform_indices = #map1}, {transform_indices = #map}]} {
    %mul3A = arith.constant 2 : i32
    %mul3A_0 = arith.muli %arg1, %mul3A : i32
    %add3A = arith.addi %mul3A_0, %arg0 : i32
    "tpu.region"() ({
      %run_scoped3A = tpu.sem_alloc : memref<!tpu.dma_semaphore, #tpu.memory_space<semaphore_mem>>
      tpu.enqueue_dma source(%arg3 : memref<32768xf32, #tpu.memory_space<hbm>>) target(%arg6 : memref<32768xf32, #tpu.memory_space<vmem>>) target_semaphore(%run_scoped3A : memref<!tpu.dma_semaphore, #tpu.memory_space<semaphore_mem>>)
      tpu.wait_dma2 semaphore(%run_scoped3A : memref<!tpu.dma_semaphore, #tpu.memory_space<semaphore_mem>>) src(%arg3 : memref<32768xf32, #tpu.memory_space<hbm>>) dst(%arg6 : memref<32768xf32, #tpu.memory_space<vmem>>)
      tpu.yield
    }) : () -> ()
    "tpu.region"() ({
      %run_scoped3A = tpu.sem_alloc : memref<!tpu.dma_semaphore, #tpu.memory_space<semaphore_mem>>
      %dma_start3A = arith.constant 0 : i32
      %dma_start3A_296 = tpu.memref_slice %arg2[%add3A, %dma_start3A] : memref<32x2048xf32, #tpu.memory_space<hbm>> -> memref<1x2048xf32, #tpu.memory_space<hbm>>
      %dma_start3A_297 = tpu.memref_squeeze %dma_start3A_296 : memref<1x2048xf32, #tpu.memory_space<hbm>> -> memref<2048xf32, #tpu.memory_space<hbm>>
      %dma_start3A_298 = arith.constant 0 : i32
      %dma_start3A_299 = tpu.memref_slice %arg2[%add3A, %dma_start3A_298] : memref<32x2048xf32, #tpu.memory_space<hbm>> -> memref<1x2048xf32, #tpu.memory_space<hbm>>
      %dma_start3A_300 = tpu.memref_squeeze %dma_start3A_299 : memref<1x2048xf32, #tpu.memory_space<hbm>> -> memref<2048xf32, #tpu.memory_space<hbm>>
      tpu.enqueue_dma source(%dma_start3A_300 : memref<2048xf32, #tpu.memory_space<hbm>>) target(%arg7 : memref<2048xf32, #tpu.memory_space<vmem>>) target_semaphore(%run_scoped3A : memref<!tpu.dma_semaphore, #tpu.memory_space<semaphore_mem>>)
      %dma_wait3A = arith.constant 0 : i32
      %dma_wait3A_301 = tpu.memref_slice %arg2[%add3A, %dma_wait3A] : memref<32x2048xf32, #tpu.memory_space<hbm>> -> memref<1x2048xf32, #tpu.memory_space<hbm>>
      %dma_wait3A_302 = tpu.memref_squeeze %dma_wait3A_301 : memref<1x2048xf32, #tpu.memory_space<hbm>> -> memref<2048xf32, #tpu.memory_space<hbm>>
      %dma_wait3A_303 = arith.constant 0 : i32
      %dma_wait3A_304 = tpu.memref_slice %arg2[%add3A, %dma_wait3A_303] : memref<32x2048xf32, #tpu.memory_space<hbm>> -> memref<1x2048xf32, #tpu.memory_space<hbm>>
      %dma_wait3A_305 = tpu.memref_squeeze %dma_wait3A_304 : memref<1x2048xf32, #tpu.memory_space<hbm>> -> memref<2048xf32, #tpu.memory_space<hbm>>
      tpu.wait_dma2 semaphore(%run_scoped3A : memref<!tpu.dma_semaphore, #tpu.memory_space<semaphore_mem>>) src(%dma_wait3A_305 : memref<2048xf32, #tpu.memory_space<hbm>>) dst(%arg7 : memref<2048xf32, #tpu.memory_space<vmem>>)
      tpu.yield
    }) : () -> ()
    "tpu.region"() ({
      %run_scoped3A = tpu.sem_alloc : memref<!tpu.dma_semaphore, #tpu.memory_space<semaphore_mem>>
      tpu.enqueue_dma source(%arg4 : memref<16xf32, #tpu.memory_space<hbm>>) target(%arg8 : memref<16xf32, #tpu.memory_space<vmem>>) target_semaphore(%run_scoped3A : memref<!tpu.dma_semaphore, #tpu.memory_space<semaphore_mem>>)
      tpu.wait_dma2 semaphore(%run_scoped3A : memref<!tpu.dma_semaphore, #tpu.memory_space<semaphore_mem>>) src(%arg4 : memref<16xf32, #tpu.memory_space<hbm>>) dst(%arg8 : memref<16xf32, #tpu.memory_space<vmem>>)
      tpu.yield
    }) : () -> ()
    %broadcast_in_dim3A = arith.constant 0.000000e+00 : f32
    %broadcast_in_dim3A_1 = vector.broadcast %broadcast_in_dim3A : f32 to vector<16xf32>
    %scan3A = arith.constant 0 : i32
    %scan3A_2 = arith.constant 128 : i32
    %scan3A_3 = arith.addi %scan3A, %scan3A_2 : i32
    %scan3A_4 = arith.constant 1 : i32
    %scan3A_5 = scf.for %scan3A_296 = %scan3A to %scan3A_3 step %scan3A_4 iter_args(%scan3A_297 = %broadcast_in_dim3A_1) -> (vector<16xf32>)  : i32 {
      %mul3A_298 = arith.constant 16 : i32
      %mul3A_299 = arith.muli %mul3A_298, %scan3A_296 : i32
      %get3A_300 = arith.index_cast %mul3A_299 : i32 to index
      %get3A_301 = tpu.vector_load %arg7[%get3A_300] {strides = array<i32>} : memref<2048xf32, #tpu.memory_space<vmem>>, vector<16xf32>,
      %get3A_302 = vector.shape_cast %get3A_301 : vector<16xf32> to vector<16xf32>
      %slice3A_303 = vector.extract_strided_slice %get3A_302 {offsets = [0], sizes = [1], strides = [1]} : vector<16xf32> to vector<1xf32>
      %squeeze3A_304 = vector.extract %slice3A_303[0] : f32 from vector<1xf32>
      %mul3A_305 = arith.constant 16 : i32
      %mul3A_306 = arith.muli %mul3A_305, %scan3A_296 : i32
      %add3A_307 = arith.constant 0 : i32
      %add3A_308 = arith.addi %mul3A_306, %add3A_307 : i32
      %mul3A_309 = arith.constant 16 : i32
      %mul3A_310 = arith.muli %add3A_308, %mul3A_309 : i32
      %get3A_311 = arith.index_cast %mul3A_310 : i32 to index
      %get3A_312 = tpu.vector_load %arg6[%get3A_311] {strides = array<i32>} : memref<32768xf32, #tpu.memory_space<vmem>>, vector<16xf32>,
      %get3A_313 = vector.shape_cast %get3A_312 : vector<16xf32> to vector<16xf32>
      %mul3A_314 = vector.broadcast %squeeze3A_304 : f32 to vector<16xf32>
      %mul3A_315 = arith.mulf %mul3A_314, %get3A_313 : vector<16xf32>
      %add3A_316 = arith.addf %scan3A_297, %mul3A_315 : vector<16xf32>
      %slice3A_317 = vector.extract_strided_slice %get3A_302 {offsets = [1], sizes = [1], strides = [1]} : vector<16xf32> to vector<1xf32>
      %squeeze3A_318 = vector.extract %slice3A_317[0] : f32 from vector<1xf32>
      %mul3A_319 = arith.constant 16 : i32
      %mul3A_320 = arith.muli %mul3A_319, %scan3A_296 : i32
      %add3A_321 = arith.constant 1 : i32
      %add3A_322 = arith.addi %mul3A_320, %add3A_321 : i32
      %mul3A_323 = arith.constant 16 : i32
      %mul3A_324 = arith.muli %add3A_322, %mul3A_323 : i32
      %get3A_325 = arith.index_cast %mul3A_324 : i32 to index
      %get3A_326 = tpu.vector_load %arg6[%get3A_325] {strides = array<i32>} : memref<32768xf32, #tpu.memory_space<vmem>>, vector<16xf32>,
      %get3A_327 = vector.shape_cast %get3A_326 : vector<16xf32> to vector<16xf32>
      %mul3A_328 = vector.broadcast %squeeze3A_318 : f32 to vector<16xf32>
      %mul3A_329 = arith.mulf %mul3A_328, %get3A_327 : vector<16xf32>
      %add3A_330 = arith.addf %add3A_316, %mul3A_329 : vector<16xf32>
      %slice3A_331 = vector.extract_strided_slice %get3A_302 {offsets = [2], sizes = [1], strides = [1]} : vector<16xf32> to vector<1xf32>
      %squeeze3A_332 = vector.extract %slice3A_331[0] : f32 from vector<1xf32>
      %mul3A_333 = arith.constant 16 : i32
      %mul3A_334 = arith.muli %mul3A_333, %scan3A_296 : i32
      %add3A_335 = arith.constant 2 : i32
      %add3A_336 = arith.addi %mul3A_334, %add3A_335 : i32
      %mul3A_337 = arith.constant 16 : i32
      %mul3A_338 = arith.muli %add3A_336, %mul3A_337 : i32
      %get3A_339 = arith.index_cast %mul3A_338 : i32 to index
      %get3A_340 = tpu.vector_load %arg6[%get3A_339] {strides = array<i32>} : memref<32768xf32, #tpu.memory_space<vmem>>, vector<16xf32>,
      %get3A_341 = vector.shape_cast %get3A_340 : vector<16xf32> to vector<16xf32>
      %mul3A_342 = vector.broadcast %squeeze3A_332 : f32 to vector<16xf32>
      %mul3A_343 = arith.mulf %mul3A_342, %get3A_341 : vector<16xf32>
      %add3A_344 = arith.addf %add3A_330, %mul3A_343 : vector<16xf32>
      %slice3A_345 = vector.extract_strided_slice %get3A_302 {offsets = [3], sizes = [1], strides = [1]} : vector<16xf32> to vector<1xf32>
      %squeeze3A_346 = vector.extract %slice3A_345[0] : f32 from vector<1xf32>
      %mul3A_347 = arith.constant 16 : i32
      %mul3A_348 = arith.muli %mul3A_347, %scan3A_296 : i32
      %add3A_349 = arith.constant 3 : i32
      %add3A_350 = arith.addi %mul3A_348, %add3A_349 : i32
      %mul3A_351 = arith.constant 16 : i32
      %mul3A_352 = arith.muli %add3A_350, %mul3A_351 : i32
      %get3A_353 = arith.index_cast %mul3A_352 : i32 to index
      %get3A_354 = tpu.vector_load %arg6[%get3A_353] {strides = array<i32>} : memref<32768xf32, #tpu.memory_space<vmem>>, vector<16xf32>,
      %get3A_355 = vector.shape_cast %get3A_354 : vector<16xf32> to vector<16xf32>
      %mul3A_356 = vector.broadcast %squeeze3A_346 : f32 to vector<16xf32>
      %mul3A_357 = arith.mulf %mul3A_356, %get3A_355 : vector<16xf32>
      %add3A_358 = arith.addf %add3A_344, %mul3A_357 : vector<16xf32>
      %slice3A_359 = vector.extract_strided_slice %get3A_302 {offsets = [4], sizes = [1], strides = [1]} : vector<16xf32> to vector<1xf32>
      %squeeze3A_360 = vector.extract %slice3A_359[0] : f32 from vector<1xf32>
      %mul3A_361 = arith.constant 16 : i32
      %mul3A_362 = arith.muli %mul3A_361, %scan3A_296 : i32
      %add3A_363 = arith.constant 4 : i32
      %add3A_364 = arith.addi %mul3A_362, %add3A_363 : i32
      %mul3A_365 = arith.constant 16 : i32
      %mul3A_366 = arith.muli %add3A_364, %mul3A_365 : i32
      %get3A_367 = arith.index_cast %mul3A_366 : i32 to index
      %get3A_368 = tpu.vector_load %arg6[%get3A_367] {strides = array<i32>} : memref<32768xf32, #tpu.memory_space<vmem>>, vector<16xf32>,
      %get3A_369 = vector.shape_cast %get3A_368 : vector<16xf32> to vector<16xf32>
      %mul3A_370 = vector.broadcast %squeeze3A_360 : f32 to vector<16xf32>
      %mul3A_371 = arith.mulf %mul3A_370, %get3A_369 : vector<16xf32>
      %add3A_372 = arith.addf %add3A_358, %mul3A_371 : vector<16xf32>
      %slice3A_373 = vector.extract_strided_slice %get3A_302 {offsets = [5], sizes = [1], strides = [1]} : vector<16xf32> to vector<1xf32>
      %squeeze3A_374 = vector.extract %slice3A_373[0] : f32 from vector<1xf32>
      %mul3A_375 = arith.constant 16 : i32
      %mul3A_376 = arith.muli %mul3A_375, %scan3A_296 : i32
      %add3A_377 = arith.constant 5 : i32
      %add3A_378 = arith.addi %mul3A_376, %add3A_377 : i32
      %mul3A_379 = arith.constant 16 : i32
      %mul3A_380 = arith.muli %add3A_378, %mul3A_379 : i32
      %get3A_381 = arith.index_cast %mul3A_380 : i32 to index
      %get3A_382 = tpu.vector_load %arg6[%get3A_381] {strides = array<i32>} : memref<32768xf32, #tpu.memory_space<vmem>>, vector<16xf32>,
      %get3A_383 = vector.shape_cast %get3A_382 : vector<16xf32> to vector<16xf32>
      %mul3A_384 = vector.broadcast %squeeze3A_374 : f32 to vector<16xf32>
      %mul3A_385 = arith.mulf %mul3A_384, %get3A_383 : vector<16xf32>
      %add3A_386 = arith.addf %add3A_372, %mul3A_385 : vector<16xf32>
      %slice3A_387 = vector.extract_strided_slice %get3A_302 {offsets = [6], sizes = [1], strides = [1]} : vector<16xf32> to vector<1xf32>
      %squeeze3A_388 = vector.extract %slice3A_387[0] : f32 from vector<1xf32>
      %mul3A_389 = arith.constant 16 : i32
      %mul3A_390 = arith.muli %mul3A_389, %scan3A_296 : i32
      %add3A_391 = arith.constant 6 : i32
      %add3A_392 = arith.addi %mul3A_390, %add3A_391 : i32
      %mul3A_393 = arith.constant 16 : i32
      %mul3A_394 = arith.muli %add3A_392, %mul3A_393 : i32
      %get3A_395 = arith.index_cast %mul3A_394 : i32 to index
      %get3A_396 = tpu.vector_load %arg6[%get3A_395] {strides = array<i32>} : memref<32768xf32, #tpu.memory_space<vmem>>, vector<16xf32>,
      %get3A_397 = vector.shape_cast %get3A_396 : vector<16xf32> to vector<16xf32>
      %mul3A_398 = vector.broadcast %squeeze3A_388 : f32 to vector<16xf32>
      %mul3A_399 = arith.mulf %mul3A_398, %get3A_397 : vector<16xf32>
      %add3A_400 = arith.addf %add3A_386, %mul3A_399 : vector<16xf32>
      %slice3A_401 = vector.extract_strided_slice %get3A_302 {offsets = [7], sizes = [1], strides = [1]} : vector<16xf32> to vector<1xf32>
      %squeeze3A_402 = vector.extract %slice3A_401[0] : f32 from vector<1xf32>
      %mul3A_403 = arith.constant 16 : i32
      %mul3A_404 = arith.muli %mul3A_403, %scan3A_296 : i32
      %add3A_405 = arith.constant 7 : i32
      %add3A_406 = arith.addi %mul3A_404, %add3A_405 : i32
      %mul3A_407 = arith.constant 16 : i32
      %mul3A_408 = arith.muli %add3A_406, %mul3A_407 : i32
      %get3A_409 = arith.index_cast %mul3A_408 : i32 to index
      %get3A_410 = tpu.vector_load %arg6[%get3A_409] {strides = array<i32>} : memref<32768xf32, #tpu.memory_space<vmem>>, vector<16xf32>,
      %get3A_411 = vector.shape_cast %get3A_410 : vector<16xf32> to vector<16xf32>
      %mul3A_412 = vector.broadcast %squeeze3A_402 : f32 to vector<16xf32>
      %mul3A_413 = arith.mulf %mul3A_412, %get3A_411 : vector<16xf32>
      %add3A_414 = arith.addf %add3A_400, %mul3A_413 : vector<16xf32>
      %slice3A_415 = vector.extract_strided_slice %get3A_302 {offsets = [8], sizes = [1], strides = [1]} : vector<16xf32> to vector<1xf32>
      %squeeze3A_416 = vector.extract %slice3A_415[0] : f32 from vector<1xf32>
      %mul3A_417 = arith.constant 16 : i32
      %mul3A_418 = arith.muli %mul3A_417, %scan3A_296 : i32
      %add3A_419 = arith.constant 8 : i32
      %add3A_420 = arith.addi %mul3A_418, %add3A_419 : i32
      %mul3A_421 = arith.constant 16 : i32
      %mul3A_422 = arith.muli %add3A_420, %mul3A_421 : i32
      %get3A_423 = arith.index_cast %mul3A_422 : i32 to index
      %get3A_424 = tpu.vector_load %arg6[%get3A_423] {strides = array<i32>} : memref<32768xf32, #tpu.memory_space<vmem>>, vector<16xf32>,
      %get3A_425 = vector.shape_cast %get3A_424 : vector<16xf32> to vector<16xf32>
      %mul3A_426 = vector.broadcast %squeeze3A_416 : f32 to vector<16xf32>
      %mul3A_427 = arith.mulf %mul3A_426, %get3A_425 : vector<16xf32>
      %add3A_428 = arith.addf %add3A_414, %mul3A_427 : vector<16xf32>
      %slice3A_429 = vector.extract_strided_slice %get3A_302 {offsets = [9], sizes = [1], strides = [1]} : vector<16xf32> to vector<1xf32>
      %squeeze3A_430 = vector.extract %slice3A_429[0] : f32 from vector<1xf32>
      %mul3A_431 = arith.constant 16 : i32
      %mul3A_432 = arith.muli %mul3A_431, %scan3A_296 : i32
      %add3A_433 = arith.constant 9 : i32
      %add3A_434 = arith.addi %mul3A_432, %add3A_433 : i32
      %mul3A_435 = arith.constant 16 : i32
      %mul3A_436 = arith.muli %add3A_434, %mul3A_435 : i32
      %get3A_437 = arith.index_cast %mul3A_436 : i32 to index
      %get3A_438 = tpu.vector_load %arg6[%get3A_437] {strides = array<i32>} : memref<32768xf32, #tpu.memory_space<vmem>>, vector<16xf32>,
      %get3A_439 = vector.shape_cast %get3A_438 : vector<16xf32> to vector<16xf32>
      %mul3A_440 = vector.broadcast %squeeze3A_430 : f32 to vector<16xf32>
      %mul3A_441 = arith.mulf %mul3A_440, %get3A_439 : vector<16xf32>
      %add3A_442 = arith.addf %add3A_428, %mul3A_441 : vector<16xf32>
      %slice3A_443 = vector.extract_strided_slice %get3A_302 {offsets = [10], sizes = [1], strides = [1]} : vector<16xf32> to vector<1xf32>
      %squeeze3A_444 = vector.extract %slice3A_443[0] : f32 from vector<1xf32>
      %mul3A_445 = arith.constant 16 : i32
      %mul3A_446 = arith.muli %mul3A_445, %scan3A_296 : i32
      %add3A_447 = arith.constant 10 : i32
      %add3A_448 = arith.addi %mul3A_446, %add3A_447 : i32
      %mul3A_449 = arith.constant 16 : i32
      %mul3A_450 = arith.muli %add3A_448, %mul3A_449 : i32
      %get3A_451 = arith.index_cast %mul3A_450 : i32 to index
      %get3A_452 = tpu.vector_load %arg6[%get3A_451] {strides = array<i32>} : memref<32768xf32, #tpu.memory_space<vmem>>, vector<16xf32>,
      %get3A_453 = vector.shape_cast %get3A_452 : vector<16xf32> to vector<16xf32>
      %mul3A_454 = vector.broadcast %squeeze3A_444 : f32 to vector<16xf32>
      %mul3A_455 = arith.mulf %mul3A_454, %get3A_453 : vector<16xf32>
      %add3A_456 = arith.addf %add3A_442, %mul3A_455 : vector<16xf32>
      %slice3A_457 = vector.extract_strided_slice %get3A_302 {offsets = [11], sizes = [1], strides = [1]} : vector<16xf32> to vector<1xf32>
      %squeeze3A_458 = vector.extract %slice3A_457[0] : f32 from vector<1xf32>
      %mul3A_459 = arith.constant 16 : i32
      %mul3A_460 = arith.muli %mul3A_459, %scan3A_296 : i32
      %add3A_461 = arith.constant 11 : i32
      %add3A_462 = arith.addi %mul3A_460, %add3A_461 : i32
      %mul3A_463 = arith.constant 16 : i32
      %mul3A_464 = arith.muli %add3A_462, %mul3A_463 : i32
      %get3A_465 = arith.index_cast %mul3A_464 : i32 to index
      %get3A_466 = tpu.vector_load %arg6[%get3A_465] {strides = array<i32>} : memref<32768xf32, #tpu.memory_space<vmem>>, vector<16xf32>,
      %get3A_467 = vector.shape_cast %get3A_466 : vector<16xf32> to vector<16xf32>
      %mul3A_468 = vector.broadcast %squeeze3A_458 : f32 to vector<16xf32>
      %mul3A_469 = arith.mulf %mul3A_468, %get3A_467 : vector<16xf32>
      %add3A_470 = arith.addf %add3A_456, %mul3A_469 : vector<16xf32>
      %slice3A_471 = vector.extract_strided_slice %get3A_302 {offsets = [12], sizes = [1], strides = [1]} : vector<16xf32> to vector<1xf32>
      %squeeze3A_472 = vector.extract %slice3A_471[0] : f32 from vector<1xf32>
      %mul3A_473 = arith.constant 16 : i32
      %mul3A_474 = arith.muli %mul3A_473, %scan3A_296 : i32
      %add3A_475 = arith.constant 12 : i32
      %add3A_476 = arith.addi %mul3A_474, %add3A_475 : i32
      %mul3A_477 = arith.constant 16 : i32
      %mul3A_478 = arith.muli %add3A_476, %mul3A_477 : i32
      %get3A_479 = arith.index_cast %mul3A_478 : i32 to index
      %get3A_480 = tpu.vector_load %arg6[%get3A_479] {strides = array<i32>} : memref<32768xf32, #tpu.memory_space<vmem>>, vector<16xf32>,
      %get3A_481 = vector.shape_cast %get3A_480 : vector<16xf32> to vector<16xf32>
      %mul3A_482 = vector.broadcast %squeeze3A_472 : f32 to vector<16xf32>
      %mul3A_483 = arith.mulf %mul3A_482, %get3A_481 : vector<16xf32>
      %add3A_484 = arith.addf %add3A_470, %mul3A_483 : vector<16xf32>
      %slice3A_485 = vector.extract_strided_slice %get3A_302 {offsets = [13], sizes = [1], strides = [1]} : vector<16xf32> to vector<1xf32>
      %squeeze3A_486 = vector.extract %slice3A_485[0] : f32 from vector<1xf32>
      %mul3A_487 = arith.constant 16 : i32
      %mul3A_488 = arith.muli %mul3A_487, %scan3A_296 : i32
      %add3A_489 = arith.constant 13 : i32
      %add3A_490 = arith.addi %mul3A_488, %add3A_489 : i32
      %mul3A_491 = arith.constant 16 : i32
      %mul3A_492 = arith.muli %add3A_490, %mul3A_491 : i32
      %get3A_493 = arith.index_cast %mul3A_492 : i32 to index
      %get3A_494 = tpu.vector_load %arg6[%get3A_493] {strides = array<i32>} : memref<32768xf32, #tpu.memory_space<vmem>>, vector<16xf32>,
      %get3A_495 = vector.shape_cast %get3A_494 : vector<16xf32> to vector<16xf32>
      %mul3A_496 = vector.broadcast %squeeze3A_486 : f32 to vector<16xf32>
      %mul3A_497 = arith.mulf %mul3A_496, %get3A_495 : vector<16xf32>
      %add3A_498 = arith.addf %add3A_484, %mul3A_497 : vector<16xf32>
      %slice3A_499 = vector.extract_strided_slice %get3A_302 {offsets = [14], sizes = [1], strides = [1]} : vector<16xf32> to vector<1xf32>
      %squeeze3A_500 = vector.extract %slice3A_499[0] : f32 from vector<1xf32>
      %mul3A_501 = arith.constant 16 : i32
      %mul3A_502 = arith.muli %mul3A_501, %scan3A_296 : i32
      %add3A_503 = arith.constant 14 : i32
      %add3A_504 = arith.addi %mul3A_502, %add3A_503 : i32
      %mul3A_505 = arith.constant 16 : i32
      %mul3A_506 = arith.muli %add3A_504, %mul3A_505 : i32
      %get3A_507 = arith.index_cast %mul3A_506 : i32 to index
      %get3A_508 = tpu.vector_load %arg6[%get3A_507] {strides = array<i32>} : memref<32768xf32, #tpu.memory_space<vmem>>, vector<16xf32>,
      %get3A_509 = vector.shape_cast %get3A_508 : vector<16xf32> to vector<16xf32>
      %mul3A_510 = vector.broadcast %squeeze3A_500 : f32 to vector<16xf32>
      %mul3A_511 = arith.mulf %mul3A_510, %get3A_509 : vector<16xf32>
      %add3A_512 = arith.addf %add3A_498, %mul3A_511 : vector<16xf32>
      %slice3A_513 = vector.extract_strided_slice %get3A_302 {offsets = [15], sizes = [1], strides = [1]} : vector<16xf32> to vector<1xf32>
      %squeeze3A_514 = vector.extract %slice3A_513[0] : f32 from vector<1xf32>
      %mul3A_515 = arith.constant 16 : i32
      %mul3A_516 = arith.muli %mul3A_515, %scan3A_296 : i32
      %add3A_517 = arith.constant 15 : i32
      %add3A_518 = arith.addi %mul3A_516, %add3A_517 : i32
      %mul3A_519 = arith.constant 16 : i32
      %mul3A_520 = arith.muli %add3A_518, %mul3A_519 : i32
      %get3A_521 = arith.index_cast %mul3A_520 : i32 to index
      %get3A_522 = tpu.vector_load %arg6[%get3A_521] {strides = array<i32>} : memref<32768xf32, #tpu.memory_space<vmem>>, vector<16xf32>,
      %get3A_523 = vector.shape_cast %get3A_522 : vector<16xf32> to vector<16xf32>
      %mul3A_524 = vector.broadcast %squeeze3A_514 : f32 to vector<16xf32>
      %mul3A_525 = arith.mulf %mul3A_524, %get3A_523 : vector<16xf32>
      %add3A_526 = arith.addf %add3A_512, %mul3A_525 : vector<16xf32>
      scf.yield %add3A_526 : vector<16xf32>
    }
    %scan3A_6 = arith.constant 128 : i32
    %get3A = arith.constant 0 : index
    %get3A_7 = tpu.vector_load %arg8[%get3A] {strides = array<i32>} : memref<16xf32, #tpu.memory_space<vmem>>, vector<16xf32>,
    %get3A_8 = vector.shape_cast %get3A_7 : vector<16xf32> to vector<16xf32>
    %add3A_9 = arith.addf %scan3A_5, %get3A_8 : vector<16xf32>
    %iota3A = tpu.iota {dimensions = array<i32: 0>} : vector<16xi32>
    %broadcast_in_dim3A_10 = arith.constant 0.000000e+00 : f32
    %broadcast_in_dim3A_11 = vector.broadcast %broadcast_in_dim3A_10 : f32 to vector<16xf32>
    %slice3A = vector.extract_strided_slice %add3A_9 {offsets = [0], sizes = [1], strides = [1]} : vector<16xf32> to vector<1xf32>
    %squeeze3A = vector.extract %slice3A[0] : f32 from vector<1xf32>
    %add3A_12 = vector.broadcast %squeeze3A : f32 to vector<16xf32>
    %add3A_13 = arith.addf %broadcast_in_dim3A_11, %add3A_12 : vector<16xf32>
    %slice3A_14 = vector.extract_strided_slice %add3A_9 {offsets = [1], sizes = [1], strides = [1]} : vector<16xf32> to vector<1xf32>
    %squeeze3A_15 = vector.extract %slice3A_14[0] : f32 from vector<1xf32>
    %max3A = vector.broadcast %squeeze3A_15 : f32 to vector<16xf32>
    %max3A_16 = arith.maximumf %add3A_13, %max3A : vector<16xf32>
    %slice3A_17 = vector.extract_strided_slice %add3A_9 {offsets = [2], sizes = [1], strides = [1]} : vector<16xf32> to vector<1xf32>
    %squeeze3A_18 = vector.extract %slice3A_17[0] : f32 from vector<1xf32>
    %max3A_19 = vector.broadcast %squeeze3A_18 : f32 to vector<16xf32>
    %max3A_20 = arith.maximumf %max3A_16, %max3A_19 : vector<16xf32>
    %slice3A_21 = vector.extract_strided_slice %add3A_9 {offsets = [3], sizes = [1], strides = [1]} : vector<16xf32> to vector<1xf32>
    %squeeze3A_22 = vector.extract %slice3A_21[0] : f32 from vector<1xf32>
    %max3A_23 = vector.broadcast %squeeze3A_22 : f32 to vector<16xf32>
    %max3A_24 = arith.maximumf %max3A_20, %max3A_23 : vector<16xf32>
    %slice3A_25 = vector.extract_strided_slice %add3A_9 {offsets = [4], sizes = [1], strides = [1]} : vector<16xf32> to vector<1xf32>
    %squeeze3A_26 = vector.extract %slice3A_25[0] : f32 from vector<1xf32>
    %max3A_27 = vector.broadcast %squeeze3A_26 : f32 to vector<16xf32>
    %max3A_28 = arith.maximumf %max3A_24, %max3A_27 : vector<16xf32>
    %slice3A_29 = vector.extract_strided_slice %add3A_9 {offsets = [5], sizes = [1], strides = [1]} : vector<16xf32> to vector<1xf32>
    %squeeze3A_30 = vector.extract %slice3A_29[0] : f32 from vector<1xf32>
    %max3A_31 = vector.broadcast %squeeze3A_30 : f32 to vector<16xf32>
    %max3A_32 = arith.maximumf %max3A_28, %max3A_31 : vector<16xf32>
    %slice3A_33 = vector.extract_strided_slice %add3A_9 {offsets = [6], sizes = [1], strides = [1]} : vector<16xf32> to vector<1xf32>
    %squeeze3A_34 = vector.extract %slice3A_33[0] : f32 from vector<1xf32>
    %max3A_35 = vector.broadcast %squeeze3A_34 : f32 to vector<16xf32>
    %max3A_36 = arith.maximumf %max3A_32, %max3A_35 : vector<16xf32>
    %slice3A_37 = vector.extract_strided_slice %add3A_9 {offsets = [7], sizes = [1], strides = [1]} : vector<16xf32> to vector<1xf32>
    %squeeze3A_38 = vector.extract %slice3A_37[0] : f32 from vector<1xf32>
    %max3A_39 = vector.broadcast %squeeze3A_38 : f32 to vector<16xf32>
    %max3A_40 = arith.maximumf %max3A_36, %max3A_39 : vector<16xf32>
    %slice3A_41 = vector.extract_strided_slice %add3A_9 {offsets = [8], sizes = [1], strides = [1]} : vector<16xf32> to vector<1xf32>
    %squeeze3A_42 = vector.extract %slice3A_41[0] : f32 from vector<1xf32>
    %max3A_43 = vector.broadcast %squeeze3A_42 : f32 to vector<16xf32>
    %max3A_44 = arith.maximumf %max3A_40, %max3A_43 : vector<16xf32>
    %slice3A_45 = vector.extract_strided_slice %add3A_9 {offsets = [9], sizes = [1], strides = [1]} : vector<16xf32> to vector<1xf32>
    %squeeze3A_46 = vector.extract %slice3A_45[0] : f32 from vector<1xf32>
    %max3A_47 = vector.broadcast %squeeze3A_46 : f32 to vector<16xf32>
    %max3A_48 = arith.maximumf %max3A_44, %max3A_47 : vector<16xf32>
    %slice3A_49 = vector.extract_strided_slice %add3A_9 {offsets = [10], sizes = [1], strides = [1]} : vector<16xf32> to vector<1xf32>
    %squeeze3A_50 = vector.extract %slice3A_49[0] : f32 from vector<1xf32>
    %max3A_51 = vector.broadcast %squeeze3A_50 : f32 to vector<16xf32>
    %max3A_52 = arith.maximumf %max3A_48, %max3A_51 : vector<16xf32>
    %slice3A_53 = vector.extract_strided_slice %add3A_9 {offsets = [11], sizes = [1], strides = [1]} : vector<16xf32> to vector<1xf32>
    %squeeze3A_54 = vector.extract %slice3A_53[0] : f32 from vector<1xf32>
    %max3A_55 = vector.broadcast %squeeze3A_54 : f32 to vector<16xf32>
    %max3A_56 = arith.maximumf %max3A_52, %max3A_55 : vector<16xf32>
    %slice3A_57 = vector.extract_strided_slice %add3A_9 {offsets = [12], sizes = [1], strides = [1]} : vector<16xf32> to vector<1xf32>
    %squeeze3A_58 = vector.extract %slice3A_57[0] : f32 from vector<1xf32>
    %max3A_59 = vector.broadcast %squeeze3A_58 : f32 to vector<16xf32>
    %max3A_60 = arith.maximumf %max3A_56, %max3A_59 : vector<16xf32>
    %slice3A_61 = vector.extract_strided_slice %add3A_9 {offsets = [13], sizes = [1], strides = [1]} : vector<16xf32> to vector<1xf32>
    %squeeze3A_62 = vector.extract %slice3A_61[0] : f32 from vector<1xf32>
    %max3A_63 = vector.broadcast %squeeze3A_62 : f32 to vector<16xf32>
    %max3A_64 = arith.maximumf %max3A_60, %max3A_63 : vector<16xf32>
    %slice3A_65 = vector.extract_strided_slice %add3A_9 {offsets = [14], sizes = [1], strides = [1]} : vector<16xf32> to vector<1xf32>
    %squeeze3A_66 = vector.extract %slice3A_65[0] : f32 from vector<1xf32>
    %max3A_67 = vector.broadcast %squeeze3A_66 : f32 to vector<16xf32>
    %max3A_68 = arith.maximumf %max3A_64, %max3A_67 : vector<16xf32>
    %slice3A_69 = vector.extract_strided_slice %add3A_9 {offsets = [15], sizes = [1], strides = [1]} : vector<16xf32> to vector<1xf32>
    %squeeze3A_70 = vector.extract %slice3A_69[0] : f32 from vector<1xf32>
    %max3A_71 = vector.broadcast %squeeze3A_70 : f32 to vector<16xf32>
    %max3A_72 = arith.maximumf %max3A_68, %max3A_71 : vector<16xf32>
    %eq3A = arith.cmpf oeq, %add3A_9, %max3A_72 : vector<16xf32>
    %jit3A = arith.constant 16 : i32
    %broadcast_in_dim3A_73 = vector.broadcast %jit3A : i32 to vector<16xi32>
    %select_n3A = arith.select %eq3A, %iota3A, %broadcast_in_dim3A_73 : vector<16xi1>, vector<16xi32>
    %broadcast_in_dim3A_74 = arith.constant 0 : i32
    %broadcast_in_dim3A_75 = vector.broadcast %broadcast_in_dim3A_74 : i32 to vector<16xi32>
    %slice3A_76 = vector.extract_strided_slice %select_n3A {offsets = [0], sizes = [1], strides = [1]} : vector<16xi32> to vector<1xi32>
    %squeeze3A_77 = vector.extract %slice3A_76[0] : i32 from vector<1xi32>
    %add3A_78 = vector.broadcast %squeeze3A_77 : i32 to vector<16xi32>
    %add3A_79 = arith.addi %broadcast_in_dim3A_75, %add3A_78 : vector<16xi32>
    %slice3A_80 = vector.extract_strided_slice %select_n3A {offsets = [1], sizes = [1], strides = [1]} : vector<16xi32> to vector<1xi32>
    %squeeze3A_81 = vector.extract %slice3A_80[0] : i32 from vector<1xi32>
    %min3A = vector.broadcast %squeeze3A_81 : i32 to vector<16xi32>
    %min3A_82 = arith.minsi %add3A_79, %min3A : vector<16xi32>
    %slice3A_83 = vector.extract_strided_slice %select_n3A {offsets = [2], sizes = [1], strides = [1]} : vector<16xi32> to vector<1xi32>
    %squeeze3A_84 = vector.extract %slice3A_83[0] : i32 from vector<1xi32>
    %min3A_85 = vector.broadcast %squeeze3A_84 : i32 to vector<16xi32>
    %min3A_86 = arith.minsi %min3A_82, %min3A_85 : vector<16xi32>
    %slice3A_87 = vector.extract_strided_slice %select_n3A {offsets = [3], sizes = [1], strides = [1]} : vector<16xi32> to vector<1xi32>
    %squeeze3A_88 = vector.extract %slice3A_87[0] : i32 from vector<1xi32>
    %min3A_89 = vector.broadcast %squeeze3A_88 : i32 to vector<16xi32>
    %min3A_90 = arith.minsi %min3A_86, %min3A_89 : vector<16xi32>
    %slice3A_91 = vector.extract_strided_slice %select_n3A {offsets = [4], sizes = [1], strides = [1]} : vector<16xi32> to vector<1xi32>
    %squeeze3A_92 = vector.extract %slice3A_91[0] : i32 from vector<1xi32>
    %min3A_93 = vector.broadcast %squeeze3A_92 : i32 to vector<16xi32>
    %min3A_94 = arith.minsi %min3A_90, %min3A_93 : vector<16xi32>
    %slice3A_95 = vector.extract_strided_slice %select_n3A {offsets = [5], sizes = [1], strides = [1]} : vector<16xi32> to vector<1xi32>
    %squeeze3A_96 = vector.extract %slice3A_95[0] : i32 from vector<1xi32>
    %min3A_97 = vector.broadcast %squeeze3A_96 : i32 to vector<16xi32>
    %min3A_98 = arith.minsi %min3A_94, %min3A_97 : vector<16xi32>
    %slice3A_99 = vector.extract_strided_slice %select_n3A {offsets = [6], sizes = [1], strides = [1]} : vector<16xi32> to vector<1xi32>
    %squeeze3A_100 = vector.extract %slice3A_99[0] : i32 from vector<1xi32>
    %min3A_101 = vector.broadcast %squeeze3A_100 : i32 to vector<16xi32>
    %min3A_102 = arith.minsi %min3A_98, %min3A_101 : vector<16xi32>
    %slice3A_103 = vector.extract_strided_slice %select_n3A {offsets = [7], sizes = [1], strides = [1]} : vector<16xi32> to vector<1xi32>
    %squeeze3A_104 = vector.extract %slice3A_103[0] : i32 from vector<1xi32>
    %min3A_105 = vector.broadcast %squeeze3A_104 : i32 to vector<16xi32>
    %min3A_106 = arith.minsi %min3A_102, %min3A_105 : vector<16xi32>
    %slice3A_107 = vector.extract_strided_slice %select_n3A {offsets = [8], sizes = [1], strides = [1]} : vector<16xi32> to vector<1xi32>
    %squeeze3A_108 = vector.extract %slice3A_107[0] : i32 from vector<1xi32>
    %min3A_109 = vector.broadcast %squeeze3A_108 : i32 to vector<16xi32>
    %min3A_110 = arith.minsi %min3A_106, %min3A_109 : vector<16xi32>
    %slice3A_111 = vector.extract_strided_slice %select_n3A {offsets = [9], sizes = [1], strides = [1]} : vector<16xi32> to vector<1xi32>
    %squeeze3A_112 = vector.extract %slice3A_111[0] : i32 from vector<1xi32>
    %min3A_113 = vector.broadcast %squeeze3A_112 : i32 to vector<16xi32>
    %min3A_114 = arith.minsi %min3A_110, %min3A_113 : vector<16xi32>
    %slice3A_115 = vector.extract_strided_slice %select_n3A {offsets = [10], sizes = [1], strides = [1]} : vector<16xi32> to vector<1xi32>
    %squeeze3A_116 = vector.extract %slice3A_115[0] : i32 from vector<1xi32>
    %min3A_117 = vector.broadcast %squeeze3A_116 : i32 to vector<16xi32>
    %min3A_118 = arith.minsi %min3A_114, %min3A_117 : vector<16xi32>
    %slice3A_119 = vector.extract_strided_slice %select_n3A {offsets = [11], sizes = [1], strides = [1]} : vector<16xi32> to vector<1xi32>
    %squeeze3A_120 = vector.extract %slice3A_119[0] : i32 from vector<1xi32>
    %min3A_121 = vector.broadcast %squeeze3A_120 : i32 to vector<16xi32>
    %min3A_122 = arith.minsi %min3A_118, %min3A_121 : vector<16xi32>
    %slice3A_123 = vector.extract_strided_slice %select_n3A {offsets = [12], sizes = [1], strides = [1]} : vector<16xi32> to vector<1xi32>
    %squeeze3A_124 = vector.extract %slice3A_123[0] : i32 from vector<1xi32>
    %min3A_125 = vector.broadcast %squeeze3A_124 : i32 to vector<16xi32>
    %min3A_126 = arith.minsi %min3A_122, %min3A_125 : vector<16xi32>
    %slice3A_127 = vector.extract_strided_slice %select_n3A {offsets = [13], sizes = [1], strides = [1]} : vector<16xi32> to vector<1xi32>
    %squeeze3A_128 = vector.extract %slice3A_127[0] : i32 from vector<1xi32>
    %min3A_129 = vector.broadcast %squeeze3A_128 : i32 to vector<16xi32>
    %min3A_130 = arith.minsi %min3A_126, %min3A_129 : vector<16xi32>
    %slice3A_131 = vector.extract_strided_slice %select_n3A {offsets = [14], sizes = [1], strides = [1]} : vector<16xi32> to vector<1xi32>
    %squeeze3A_132 = vector.extract %slice3A_131[0] : i32 from vector<1xi32>
    %min3A_133 = vector.broadcast %squeeze3A_132 : i32 to vector<16xi32>
    %min3A_134 = arith.minsi %min3A_130, %min3A_133 : vector<16xi32>
    %slice3A_135 = vector.extract_strided_slice %select_n3A {offsets = [15], sizes = [1], strides = [1]} : vector<16xi32> to vector<1xi32>
    %squeeze3A_136 = vector.extract %slice3A_135[0] : i32 from vector<1xi32>
    %min3A_137 = vector.broadcast %squeeze3A_136 : i32 to vector<16xi32>
    %min3A_138 = arith.minsi %min3A_134, %min3A_137 : vector<16xi32>
    %eq3A_139 = arith.cmpi eq, %iota3A, %min3A_138 : vector<16xi32>
    %jit3A_140 = arith.constant 0xFF800000 : f32
    %broadcast_in_dim3A_141 = vector.broadcast %jit3A_140 : f32 to vector<16xf32>
    %select_n3A_142 = arith.select %eq3A_139, %broadcast_in_dim3A_141, %add3A_9 : vector<16xi1>, vector<16xf32>
    %broadcast_in_dim3A_143 = arith.constant 0.000000e+00 : f32
    %broadcast_in_dim3A_144 = vector.broadcast %broadcast_in_dim3A_143 : f32 to vector<16xf32>
    %slice3A_145 = vector.extract_strided_slice %select_n3A_142 {offsets = [0], sizes = [1], strides = [1]} : vector<16xf32> to vector<1xf32>
    %squeeze3A_146 = vector.extract %slice3A_145[0] : f32 from vector<1xf32>
    %add3A_147 = vector.broadcast %squeeze3A_146 : f32 to vector<16xf32>
    %add3A_148 = arith.addf %broadcast_in_dim3A_144, %add3A_147 : vector<16xf32>
    %slice3A_149 = vector.extract_strided_slice %select_n3A_142 {offsets = [1], sizes = [1], strides = [1]} : vector<16xf32> to vector<1xf32>
    %squeeze3A_150 = vector.extract %slice3A_149[0] : f32 from vector<1xf32>
    %max3A_151 = vector.broadcast %squeeze3A_150 : f32 to vector<16xf32>
    %max3A_152 = arith.maximumf %add3A_148, %max3A_151 : vector<16xf32>
    %slice3A_153 = vector.extract_strided_slice %select_n3A_142 {offsets = [2], sizes = [1], strides = [1]} : vector<16xf32> to vector<1xf32>
    %squeeze3A_154 = vector.extract %slice3A_153[0] : f32 from vector<1xf32>
    %max3A_155 = vector.broadcast %squeeze3A_154 : f32 to vector<16xf32>
    %max3A_156 = arith.maximumf %max3A_152, %max3A_155 : vector<16xf32>
    %slice3A_157 = vector.extract_strided_slice %select_n3A_142 {offsets = [3], sizes = [1], strides = [1]} : vector<16xf32> to vector<1xf32>
    %squeeze3A_158 = vector.extract %slice3A_157[0] : f32 from vector<1xf32>
    %max3A_159 = vector.broadcast %squeeze3A_158 : f32 to vector<16xf32>
    %max3A_160 = arith.maximumf %max3A_156, %max3A_159 : vector<16xf32>
    %slice3A_161 = vector.extract_strided_slice %select_n3A_142 {offsets = [4], sizes = [1], strides = [1]} : vector<16xf32> to vector<1xf32>
    %squeeze3A_162 = vector.extract %slice3A_161[0] : f32 from vector<1xf32>
    %max3A_163 = vector.broadcast %squeeze3A_162 : f32 to vector<16xf32>
    %max3A_164 = arith.maximumf %max3A_160, %max3A_163 : vector<16xf32>
    %slice3A_165 = vector.extract_strided_slice %select_n3A_142 {offsets = [5], sizes = [1], strides = [1]} : vector<16xf32> to vector<1xf32>
    %squeeze3A_166 = vector.extract %slice3A_165[0] : f32 from vector<1xf32>
    %max3A_167 = vector.broadcast %squeeze3A_166 : f32 to vector<16xf32>
    %max3A_168 = arith.maximumf %max3A_164, %max3A_167 : vector<16xf32>
    %slice3A_169 = vector.extract_strided_slice %select_n3A_142 {offsets = [6], sizes = [1], strides = [1]} : vector<16xf32> to vector<1xf32>
    %squeeze3A_170 = vector.extract %slice3A_169[0] : f32 from vector<1xf32>
    %max3A_171 = vector.broadcast %squeeze3A_170 : f32 to vector<16xf32>
    %max3A_172 = arith.maximumf %max3A_168, %max3A_171 : vector<16xf32>
    %slice3A_173 = vector.extract_strided_slice %select_n3A_142 {offsets = [7], sizes = [1], strides = [1]} : vector<16xf32> to vector<1xf32>
    %squeeze3A_174 = vector.extract %slice3A_173[0] : f32 from vector<1xf32>
    %max3A_175 = vector.broadcast %squeeze3A_174 : f32 to vector<16xf32>
    %max3A_176 = arith.maximumf %max3A_172, %max3A_175 : vector<16xf32>
    %slice3A_177 = vector.extract_strided_slice %select_n3A_142 {offsets = [8], sizes = [1], strides = [1]} : vector<16xf32> to vector<1xf32>
    %squeeze3A_178 = vector.extract %slice3A_177[0] : f32 from vector<1xf32>
    %max3A_179 = vector.broadcast %squeeze3A_178 : f32 to vector<16xf32>
    %max3A_180 = arith.maximumf %max3A_176, %max3A_179 : vector<16xf32>
    %slice3A_181 = vector.extract_strided_slice %select_n3A_142 {offsets = [9], sizes = [1], strides = [1]} : vector<16xf32> to vector<1xf32>
    %squeeze3A_182 = vector.extract %slice3A_181[0] : f32 from vector<1xf32>
    %max3A_183 = vector.broadcast %squeeze3A_182 : f32 to vector<16xf32>
    %max3A_184 = arith.maximumf %max3A_180, %max3A_183 : vector<16xf32>
    %slice3A_185 = vector.extract_strided_slice %select_n3A_142 {offsets = [10], sizes = [1], strides = [1]} : vector<16xf32> to vector<1xf32>
    %squeeze3A_186 = vector.extract %slice3A_185[0] : f32 from vector<1xf32>
    %max3A_187 = vector.broadcast %squeeze3A_186 : f32 to vector<16xf32>
    %max3A_188 = arith.maximumf %max3A_184, %max3A_187 : vector<16xf32>
    %slice3A_189 = vector.extract_strided_slice %select_n3A_142 {offsets = [11], sizes = [1], strides = [1]} : vector<16xf32> to vector<1xf32>
    %squeeze3A_190 = vector.extract %slice3A_189[0] : f32 from vector<1xf32>
    %max3A_191 = vector.broadcast %squeeze3A_190 : f32 to vector<16xf32>
    %max3A_192 = arith.maximumf %max3A_188, %max3A_191 : vector<16xf32>
    %slice3A_193 = vector.extract_strided_slice %select_n3A_142 {offsets = [12], sizes = [1], strides = [1]} : vector<16xf32> to vector<1xf32>
    %squeeze3A_194 = vector.extract %slice3A_193[0] : f32 from vector<1xf32>
    %max3A_195 = vector.broadcast %squeeze3A_194 : f32 to vector<16xf32>
    %max3A_196 = arith.maximumf %max3A_192, %max3A_195 : vector<16xf32>
    %slice3A_197 = vector.extract_strided_slice %select_n3A_142 {offsets = [13], sizes = [1], strides = [1]} : vector<16xf32> to vector<1xf32>
    %squeeze3A_198 = vector.extract %slice3A_197[0] : f32 from vector<1xf32>
    %max3A_199 = vector.broadcast %squeeze3A_198 : f32 to vector<16xf32>
    %max3A_200 = arith.maximumf %max3A_196, %max3A_199 : vector<16xf32>
    %slice3A_201 = vector.extract_strided_slice %select_n3A_142 {offsets = [14], sizes = [1], strides = [1]} : vector<16xf32> to vector<1xf32>
    %squeeze3A_202 = vector.extract %slice3A_201[0] : f32 from vector<1xf32>
    %max3A_203 = vector.broadcast %squeeze3A_202 : f32 to vector<16xf32>
    %max3A_204 = arith.maximumf %max3A_200, %max3A_203 : vector<16xf32>
    %slice3A_205 = vector.extract_strided_slice %select_n3A_142 {offsets = [15], sizes = [1], strides = [1]} : vector<16xf32> to vector<1xf32>
    %squeeze3A_206 = vector.extract %slice3A_205[0] : f32 from vector<1xf32>
    %max3A_207 = vector.broadcast %squeeze3A_206 : f32 to vector<16xf32>
    %max3A_208 = arith.maximumf %max3A_204, %max3A_207 : vector<16xf32>
    %eq3A_209 = arith.cmpf oeq, %select_n3A_142, %max3A_208 : vector<16xf32>
    %jit3A_210 = arith.constant 16 : i32
    %broadcast_in_dim3A_211 = vector.broadcast %jit3A_210 : i32 to vector<16xi32>
    %select_n3A_212 = arith.select %eq3A_209, %iota3A, %broadcast_in_dim3A_211 : vector<16xi1>, vector<16xi32>
    %broadcast_in_dim3A_213 = arith.constant 0 : i32
    %broadcast_in_dim3A_214 = vector.broadcast %broadcast_in_dim3A_213 : i32 to vector<16xi32>
    %slice3A_215 = vector.extract_strided_slice %select_n3A_212 {offsets = [0], sizes = [1], strides = [1]} : vector<16xi32> to vector<1xi32>
    %squeeze3A_216 = vector.extract %slice3A_215[0] : i32 from vector<1xi32>
    %add3A_217 = vector.broadcast %squeeze3A_216 : i32 to vector<16xi32>
    %add3A_218 = arith.addi %broadcast_in_dim3A_214, %add3A_217 : vector<16xi32>
    %slice3A_219 = vector.extract_strided_slice %select_n3A_212 {offsets = [1], sizes = [1], strides = [1]} : vector<16xi32> to vector<1xi32>
    %squeeze3A_220 = vector.extract %slice3A_219[0] : i32 from vector<1xi32>
    %min3A_221 = vector.broadcast %squeeze3A_220 : i32 to vector<16xi32>
    %min3A_222 = arith.minsi %add3A_218, %min3A_221 : vector<16xi32>
    %slice3A_223 = vector.extract_strided_slice %select_n3A_212 {offsets = [2], sizes = [1], strides = [1]} : vector<16xi32> to vector<1xi32>
    %squeeze3A_224 = vector.extract %slice3A_223[0] : i32 from vector<1xi32>
    %min3A_225 = vector.broadcast %squeeze3A_224 : i32 to vector<16xi32>
    %min3A_226 = arith.minsi %min3A_222, %min3A_225 : vector<16xi32>
    %slice3A_227 = vector.extract_strided_slice %select_n3A_212 {offsets = [3], sizes = [1], strides = [1]} : vector<16xi32> to vector<1xi32>
    %squeeze3A_228 = vector.extract %slice3A_227[0] : i32 from vector<1xi32>
    %min3A_229 = vector.broadcast %squeeze3A_228 : i32 to vector<16xi32>
    %min3A_230 = arith.minsi %min3A_226, %min3A_229 : vector<16xi32>
    %slice3A_231 = vector.extract_strided_slice %select_n3A_212 {offsets = [4], sizes = [1], strides = [1]} : vector<16xi32> to vector<1xi32>
    %squeeze3A_232 = vector.extract %slice3A_231[0] : i32 from vector<1xi32>
    %min3A_233 = vector.broadcast %squeeze3A_232 : i32 to vector<16xi32>
    %min3A_234 = arith.minsi %min3A_230, %min3A_233 : vector<16xi32>
    %slice3A_235 = vector.extract_strided_slice %select_n3A_212 {offsets = [5], sizes = [1], strides = [1]} : vector<16xi32> to vector<1xi32>
    %squeeze3A_236 = vector.extract %slice3A_235[0] : i32 from vector<1xi32>
    %min3A_237 = vector.broadcast %squeeze3A_236 : i32 to vector<16xi32>
    %min3A_238 = arith.minsi %min3A_234, %min3A_237 : vector<16xi32>
    %slice3A_239 = vector.extract_strided_slice %select_n3A_212 {offsets = [6], sizes = [1], strides = [1]} : vector<16xi32> to vector<1xi32>
    %squeeze3A_240 = vector.extract %slice3A_239[0] : i32 from vector<1xi32>
    %min3A_241 = vector.broadcast %squeeze3A_240 : i32 to vector<16xi32>
    %min3A_242 = arith.minsi %min3A_238, %min3A_241 : vector<16xi32>
    %slice3A_243 = vector.extract_strided_slice %select_n3A_212 {offsets = [7], sizes = [1], strides = [1]} : vector<16xi32> to vector<1xi32>
    %squeeze3A_244 = vector.extract %slice3A_243[0] : i32 from vector<1xi32>
    %min3A_245 = vector.broadcast %squeeze3A_244 : i32 to vector<16xi32>
    %min3A_246 = arith.minsi %min3A_242, %min3A_245 : vector<16xi32>
    %slice3A_247 = vector.extract_strided_slice %select_n3A_212 {offsets = [8], sizes = [1], strides = [1]} : vector<16xi32> to vector<1xi32>
    %squeeze3A_248 = vector.extract %slice3A_247[0] : i32 from vector<1xi32>
    %min3A_249 = vector.broadcast %squeeze3A_248 : i32 to vector<16xi32>
    %min3A_250 = arith.minsi %min3A_246, %min3A_249 : vector<16xi32>
    %slice3A_251 = vector.extract_strided_slice %select_n3A_212 {offsets = [9], sizes = [1], strides = [1]} : vector<16xi32> to vector<1xi32>
    %squeeze3A_252 = vector.extract %slice3A_251[0] : i32 from vector<1xi32>
    %min3A_253 = vector.broadcast %squeeze3A_252 : i32 to vector<16xi32>
    %min3A_254 = arith.minsi %min3A_250, %min3A_253 : vector<16xi32>
    %slice3A_255 = vector.extract_strided_slice %select_n3A_212 {offsets = [10], sizes = [1], strides = [1]} : vector<16xi32> to vector<1xi32>
    %squeeze3A_256 = vector.extract %slice3A_255[0] : i32 from vector<1xi32>
    %min3A_257 = vector.broadcast %squeeze3A_256 : i32 to vector<16xi32>
    %min3A_258 = arith.minsi %min3A_254, %min3A_257 : vector<16xi32>
    %slice3A_259 = vector.extract_strided_slice %select_n3A_212 {offsets = [11], sizes = [1], strides = [1]} : vector<16xi32> to vector<1xi32>
    %squeeze3A_260 = vector.extract %slice3A_259[0] : i32 from vector<1xi32>
    %min3A_261 = vector.broadcast %squeeze3A_260 : i32 to vector<16xi32>
    %min3A_262 = arith.minsi %min3A_258, %min3A_261 : vector<16xi32>
    %slice3A_263 = vector.extract_strided_slice %select_n3A_212 {offsets = [12], sizes = [1], strides = [1]} : vector<16xi32> to vector<1xi32>
    %squeeze3A_264 = vector.extract %slice3A_263[0] : i32 from vector<1xi32>
    %min3A_265 = vector.broadcast %squeeze3A_264 : i32 to vector<16xi32>
    %min3A_266 = arith.minsi %min3A_262, %min3A_265 : vector<16xi32>
    %slice3A_267 = vector.extract_strided_slice %select_n3A_212 {offsets = [13], sizes = [1], strides = [1]} : vector<16xi32> to vector<1xi32>
    %squeeze3A_268 = vector.extract %slice3A_267[0] : i32 from vector<1xi32>
    %min3A_269 = vector.broadcast %squeeze3A_268 : i32 to vector<16xi32>
    %min3A_270 = arith.minsi %min3A_266, %min3A_269 : vector<16xi32>
    %slice3A_271 = vector.extract_strided_slice %select_n3A_212 {offsets = [14], sizes = [1], strides = [1]} : vector<16xi32> to vector<1xi32>
    %squeeze3A_272 = vector.extract %slice3A_271[0] : i32 from vector<1xi32>
    %min3A_273 = vector.broadcast %squeeze3A_272 : i32 to vector<16xi32>
    %min3A_274 = arith.minsi %min3A_270, %min3A_273 : vector<16xi32>
    %slice3A_275 = vector.extract_strided_slice %select_n3A_212 {offsets = [15], sizes = [1], strides = [1]} : vector<16xi32> to vector<1xi32>
    %squeeze3A_276 = vector.extract %slice3A_275[0] : i32 from vector<1xi32>
    %min3A_277 = vector.broadcast %squeeze3A_276 : i32 to vector<16xi32>
    %min3A_278 = arith.minsi %min3A_274, %min3A_277 : vector<16xi32>
    %eq3A_279 = arith.cmpi eq, %iota3A, %min3A_278 : vector<16xi32>
    %sub3A = arith.subf %max3A_208, %max3A_72 : vector<16xf32>
    %exp3A = math.exp %sub3A : vector<16xf32>
    %add3A_280 = arith.constant 1.000000e+00 : f32
    %add3A_281 = vector.broadcast %add3A_280 : f32 to vector<16xf32>
    %add3A_282 = arith.addf %add3A_281, %exp3A : vector<16xf32>
    %div3A = arith.constant 1.000000e+00 : f32
    %div3A_283 = vector.broadcast %div3A : f32 to vector<16xf32>
    %div3A_284 = arith.divf %div3A_283, %add3A_282 : vector<16xf32>
    %add3A_285 = arith.constant 1.000000e+00 : f32
    %add3A_286 = vector.broadcast %add3A_285 : f32 to vector<16xf32>
    %add3A_287 = arith.addf %add3A_286, %exp3A : vector<16xf32>
    %div3A_288 = arith.divf %exp3A, %add3A_287 : vector<16xf32>
    %jit3A_289 = arith.constant 0.000000e+00 : f32
    %broadcast_in_dim3A_290 = vector.broadcast %jit3A_289 : f32 to vector<16xf32>
    %select_n3A_291 = arith.select %eq3A_279, %div3A_288, %broadcast_in_dim3A_290 : vector<16xi1>, vector<16xf32>
    %select_n3A_292 = arith.select %eq3A_139, %div3A_284, %select_n3A_291 : vector<16xi1>, vector<16xf32>
    %swap3A = arith.constant 0 : index
    %swap3A_293 = tpu.vector_load %arg9[%swap3A] {strides = array<i32>} : memref<16xf32, #tpu.memory_space<vmem>>, vector<16xf32>,
    %swap3A_294 = vector.shape_cast %swap3A_293 : vector<16xf32> to vector<16xf32>
    %swap3A_295 = vector.shape_cast %select_n3A_292 : vector<16xf32> to vector<16xf32>
    tpu.vector_store %arg9[%swap3A], %swap3A_295 {strides = array<i32>} : memref<16xf32, #tpu.memory_space<vmem>>, vector<16xf32>,
    "tpu.region"() ({
      %run_scoped3A = tpu.sem_alloc : memref<!tpu.dma_semaphore, #tpu.memory_space<semaphore_mem>>
      %dma_start3A = arith.constant 0 : i32
      %dma_start3A_296 = tpu.memref_slice %arg5[%add3A, %dma_start3A] : memref<32x16xf32, #tpu.memory_space<hbm>> -> memref<1x16xf32, #tpu.memory_space<hbm>>
      %dma_start3A_297 = tpu.memref_squeeze %dma_start3A_296 : memref<1x16xf32, #tpu.memory_space<hbm>> -> memref<16xf32, #tpu.memory_space<hbm>>
      %dma_start3A_298 = arith.constant 0 : i32
      %dma_start3A_299 = tpu.memref_slice %arg5[%add3A, %dma_start3A_298] : memref<32x16xf32, #tpu.memory_space<hbm>> -> memref<1x16xf32, #tpu.memory_space<hbm>>
      %dma_start3A_300 = tpu.memref_squeeze %dma_start3A_299 : memref<1x16xf32, #tpu.memory_space<hbm>> -> memref<16xf32, #tpu.memory_space<hbm>>
      tpu.enqueue_dma source(%arg9 : memref<16xf32, #tpu.memory_space<vmem>>) target(%dma_start3A_300 : memref<16xf32, #tpu.memory_space<hbm>>) target_semaphore(%run_scoped3A : memref<!tpu.dma_semaphore, #tpu.memory_space<semaphore_mem>>)
      %dma_wait3A = arith.constant 0 : i32
      %dma_wait3A_301 = tpu.memref_slice %arg5[%add3A, %dma_wait3A] : memref<32x16xf32, #tpu.memory_space<hbm>> -> memref<1x16xf32, #tpu.memory_space<hbm>>
      %dma_wait3A_302 = tpu.memref_squeeze %dma_wait3A_301 : memref<1x16xf32, #tpu.memory_space<hbm>> -> memref<16xf32, #tpu.memory_space<hbm>>
      %dma_wait3A_303 = arith.constant 0 : i32
      %dma_wait3A_304 = tpu.memref_slice %arg5[%add3A, %dma_wait3A_303] : memref<32x16xf32, #tpu.memory_space<hbm>> -> memref<1x16xf32, #tpu.memory_space<hbm>>
      %dma_wait3A_305 = tpu.memref_squeeze %dma_wait3A_304 : memref<1x16xf32, #tpu.memory_space<hbm>> -> memref<16xf32, #tpu.memory_space<hbm>>
      tpu.wait_dma2 semaphore(%run_scoped3A : memref<!tpu.dma_semaphore, #tpu.memory_space<semaphore_mem>>) src(%arg9 : memref<16xf32, #tpu.memory_space<vmem>>) dst(%dma_wait3A_305 : memref<16xf32, #tpu.memory_space<hbm>>)
      tpu.yield
    }) : () -> ()
    return
  }
}

module attributes {stable_mosaic.version = 14 : i64} {
  func.func @_tca_body(%arg0: i32, %arg1: i32, %arg2: memref<32x2048xf32, #tpu.memory_space<vmem>>, %arg3: memref<2048x512xf32, #tpu.memory_space<vmem>>, %arg4: memref<2048x512xf32, #tpu.memory_space<vmem>>, %arg5: memref<2048x512xf32, #tpu.memory_space<vmem>>, %arg6: memref<2048x512xf32, #tpu.memory_space<vmem>>, %arg7: memref<1x8x512xf32, #tpu.memory_space<vmem>>, %arg8: memref<32x512xf32, #tpu.memory_space<vmem>>, %arg9: memref<1x32x512xf32, #tpu.memory_space<vmem>>, %arg10: memref<1x32x512xf32, #tpu.memory_space<vmem>>) attributes {dimension_semantics = [#tpu.dimension_semantics<arbitrary>, #tpu.dimension_semantics<arbitrary>], iteration_bounds = array<i64: 2, 4>, scalar_prefetch = 0 : i64, scratch_operands = 0 : i64, tpu.core_type = #tpu.core_type<tc>, window_params = [{pipeline_mode = #tpu.pipeline_mode<synchronous>, transform_indices = @transform_0, window_bounds = array<i64: 32, 2048>}, {transform_indices = @transform_1, window_bounds = array<i64: 2048, 512>}, {transform_indices = @transform_2, window_bounds = array<i64: 2048, 512>}, {transform_indices = @transform_3, window_bounds = array<i64: 2048, 512>}, {transform_indices = @transform_4, window_bounds = array<i64: 2048, 512>}, {transform_indices = @transform_5, window_bounds = array<i64: 1, 8, 512>}, {transform_indices = @transform_6, window_bounds = array<i64: 32, 512>}, {transform_indices = @transform_7, window_bounds = array<i64: 1, 32, 512>}, {transform_indices = @transform_8, window_bounds = array<i64: 1, 32, 512>}]} {
    %get3A = arith.constant 0 : index
    %get3A_0 = arith.constant 0 : index
    %get3A_1 = vector.load %arg2[%get3A, %get3A_0] : memref<32x2048xf32, #tpu.memory_space<vmem>>, vector<32x2048xf32>
    %get3A_2 = arith.constant 0 : index
    %get3A_3 = arith.constant 0 : index
    %get3A_4 = vector.load %arg3[%get3A_2, %get3A_3] : memref<2048x512xf32, #tpu.memory_space<vmem>>, vector<2048x512xf32>
    %dot_general3A = arith.constant dense<0.000000e+00> : vector<32x512xf32>
    %dot_general3A_5 = tpu.matmul %get3A_1, %get3A_4, %dot_general3A {dimension_numbers = #tpu.dot_dimension_numbers<[1], [0], [0], [1], [0, 0, 1, 1], [], []>, transpose_lhs_hint = false} : vector<32x2048xf32>, vector<2048x512xf32>, vector<32x512xf32> -> vector<32x512xf32>
    %get3A_6 = arith.constant 0 : index
    %get3A_7 = arith.constant 0 : index
    %get3A_8 = vector.load %arg4[%get3A_6, %get3A_7] : memref<2048x512xf32, #tpu.memory_space<vmem>>, vector<2048x512xf32>
    %dot_general3A_9 = arith.constant dense<0.000000e+00> : vector<32x512xf32>
    %dot_general3A_10 = tpu.matmul %get3A_1, %get3A_8, %dot_general3A_9 {dimension_numbers = #tpu.dot_dimension_numbers<[1], [0], [0], [1], [0, 0, 1, 1], [], []>, transpose_lhs_hint = false} : vector<32x2048xf32>, vector<2048x512xf32>, vector<32x512xf32> -> vector<32x512xf32>
    %get3A_11 = arith.constant 0 : index
    %get3A_12 = arith.constant 0 : index
    %get3A_13 = vector.load %arg5[%get3A_11, %get3A_12] : memref<2048x512xf32, #tpu.memory_space<vmem>>, vector<2048x512xf32>
    %dot_general3A_14 = arith.constant dense<0.000000e+00> : vector<32x512xf32>
    %dot_general3A_15 = tpu.matmul %get3A_1, %get3A_13, %dot_general3A_14 {dimension_numbers = #tpu.dot_dimension_numbers<[1], [0], [0], [1], [0, 0, 1, 1], [], []>, transpose_lhs_hint = false} : vector<32x2048xf32>, vector<2048x512xf32>, vector<32x512xf32> -> vector<32x512xf32>
    %get3A_16 = arith.constant 0 : index
    %get3A_17 = arith.constant 0 : index
    %get3A_18 = vector.load %arg6[%get3A_16, %get3A_17] : memref<2048x512xf32, #tpu.memory_space<vmem>>, vector<2048x512xf32>
    %dot_general3A_19 = arith.constant dense<0.000000e+00> : vector<32x512xf32>
    %dot_general3A_20 = tpu.matmul %get3A_1, %get3A_18, %dot_general3A_19 {dimension_numbers = #tpu.dot_dimension_numbers<[1], [0], [0], [1], [0, 0, 1, 1], [], []>, transpose_lhs_hint = false} : vector<32x2048xf32>, vector<2048x512xf32>, vector<32x512xf32> -> vector<32x512xf32>
    %eq3A = arith.constant 0 : i32
    %eq3A_21 = arith.cmpi eq, %arg0, %eq3A : i32
    %get3A_22 = arith.constant 0 : index
    %get3A_23 = arith.constant 0 : index
    %get3A_24 = arith.constant 0 : index
    %get3A_25 = vector.load %arg7[%get3A_22, %get3A_23, %get3A_24] : memref<1x8x512xf32, #tpu.memory_space<vmem>>, vector<1x1x512xf32>
    %get3A_26 = vector.shape_cast %get3A_25 : vector<1x1x512xf32> to vector<1x512xf32>
    %get3A_27 = arith.constant 0 : index
    %get3A_28 = arith.constant 1 : index
    %get3A_29 = arith.constant 0 : index
    %get3A_30 = vector.load %arg7[%get3A_27, %get3A_28, %get3A_29] : memref<1x8x512xf32, #tpu.memory_space<vmem>>, vector<1x1x512xf32>
    %get3A_31 = vector.shape_cast %get3A_30 : vector<1x1x512xf32> to vector<1x512xf32>
    %select_n3A = arith.select %eq3A_21, %get3A_26, %get3A_31 : vector<1x512xf32>
    %add3A = vector.broadcast %select_n3A : vector<1x512xf32> to vector<32x512xf32>
    %add3A_32 = arith.addf %dot_general3A_5, %add3A : vector<32x512xf32>
    %eq3A_33 = arith.constant 0 : i32
    %eq3A_34 = arith.cmpi eq, %arg0, %eq3A_33 : i32
    %get3A_35 = arith.constant 0 : index
    %get3A_36 = arith.constant 2 : index
    %get3A_37 = arith.constant 0 : index
    %get3A_38 = vector.load %arg7[%get3A_35, %get3A_36, %get3A_37] : memref<1x8x512xf32, #tpu.memory_space<vmem>>, vector<1x1x512xf32>
    %get3A_39 = vector.shape_cast %get3A_38 : vector<1x1x512xf32> to vector<1x512xf32>
    %get3A_40 = arith.constant 0 : index
    %get3A_41 = arith.constant 3 : index
    %get3A_42 = arith.constant 0 : index
    %get3A_43 = vector.load %arg7[%get3A_40, %get3A_41, %get3A_42] : memref<1x8x512xf32, #tpu.memory_space<vmem>>, vector<1x1x512xf32>
    %get3A_44 = vector.shape_cast %get3A_43 : vector<1x1x512xf32> to vector<1x512xf32>
    %select_n3A_45 = arith.select %eq3A_34, %get3A_39, %get3A_44 : vector<1x512xf32>
    %add3A_46 = vector.broadcast %select_n3A_45 : vector<1x512xf32> to vector<32x512xf32>
    %add3A_47 = arith.addf %dot_general3A_10, %add3A_46 : vector<32x512xf32>
    %eq3A_48 = arith.constant 0 : i32
    %eq3A_49 = arith.cmpi eq, %arg0, %eq3A_48 : i32
    %get3A_50 = arith.constant 0 : index
    %get3A_51 = arith.constant 4 : index
    %get3A_52 = arith.constant 0 : index
    %get3A_53 = vector.load %arg7[%get3A_50, %get3A_51, %get3A_52] : memref<1x8x512xf32, #tpu.memory_space<vmem>>, vector<1x1x512xf32>
    %get3A_54 = vector.shape_cast %get3A_53 : vector<1x1x512xf32> to vector<1x512xf32>
    %get3A_55 = arith.constant 0 : index
    %get3A_56 = arith.constant 5 : index
    %get3A_57 = arith.constant 0 : index
    %get3A_58 = vector.load %arg7[%get3A_55, %get3A_56, %get3A_57] : memref<1x8x512xf32, #tpu.memory_space<vmem>>, vector<1x1x512xf32>
    %get3A_59 = vector.shape_cast %get3A_58 : vector<1x1x512xf32> to vector<1x512xf32>
    %select_n3A_60 = arith.select %eq3A_49, %get3A_54, %get3A_59 : vector<1x512xf32>
    %add3A_61 = vector.broadcast %select_n3A_60 : vector<1x512xf32> to vector<32x512xf32>
    %add3A_62 = arith.addf %dot_general3A_15, %add3A_61 : vector<32x512xf32>
    %eq3A_63 = arith.constant 0 : i32
    %eq3A_64 = arith.cmpi eq, %arg0, %eq3A_63 : i32
    %get3A_65 = arith.constant 0 : index
    %get3A_66 = arith.constant 6 : index
    %get3A_67 = arith.constant 0 : index
    %get3A_68 = vector.load %arg7[%get3A_65, %get3A_66, %get3A_67] : memref<1x8x512xf32, #tpu.memory_space<vmem>>, vector<1x1x512xf32>
    %get3A_69 = vector.shape_cast %get3A_68 : vector<1x1x512xf32> to vector<1x512xf32>
    %get3A_70 = arith.constant 0 : index
    %get3A_71 = arith.constant 7 : index
    %get3A_72 = arith.constant 0 : index
    %get3A_73 = vector.load %arg7[%get3A_70, %get3A_71, %get3A_72] : memref<1x8x512xf32, #tpu.memory_space<vmem>>, vector<1x1x512xf32>
    %get3A_74 = vector.shape_cast %get3A_73 : vector<1x1x512xf32> to vector<1x512xf32>
    %select_n3A_75 = arith.select %eq3A_64, %get3A_69, %get3A_74 : vector<1x512xf32>
    %add3A_76 = vector.broadcast %select_n3A_75 : vector<1x512xf32> to vector<32x512xf32>
    %add3A_77 = arith.addf %dot_general3A_20, %add3A_76 : vector<32x512xf32>
    %logistic3A = arith.negf %add3A_62 : vector<32x512xf32>
    %logistic3A_78 = math.exp %logistic3A : vector<32x512xf32>
    %logistic3A_79 = arith.constant 1.000000e+00 : f32
    %logistic3A_80 = vector.broadcast %logistic3A_79 : f32 to vector<32x512xf32>
    %logistic3A_81 = arith.addf %logistic3A_80, %logistic3A_78 : vector<32x512xf32>
    %logistic3A_82 = arith.divf %logistic3A_80, %logistic3A_81 : vector<32x512xf32>
    %get3A_83 = arith.constant 0 : index
    %get3A_84 = arith.constant 0 : index
    %get3A_85 = vector.load %arg8[%get3A_83, %get3A_84] : memref<32x512xf32, #tpu.memory_space<vmem>>, vector<32x512xf32>
    %mul3A = arith.mulf %logistic3A_82, %get3A_85 : vector<32x512xf32>
    %logistic3A_86 = arith.negf %add3A_32 : vector<32x512xf32>
    %logistic3A_87 = math.exp %logistic3A_86 : vector<32x512xf32>
    %logistic3A_88 = arith.constant 1.000000e+00 : f32
    %logistic3A_89 = vector.broadcast %logistic3A_88 : f32 to vector<32x512xf32>
    %logistic3A_90 = arith.addf %logistic3A_89, %logistic3A_87 : vector<32x512xf32>
    %logistic3A_91 = arith.divf %logistic3A_89, %logistic3A_90 : vector<32x512xf32>
    %tanh3A = math.tanh %add3A_47 : vector<32x512xf32>
    %mul3A_92 = arith.mulf %logistic3A_91, %tanh3A : vector<32x512xf32>
    %add3A_93 = arith.addf %mul3A, %mul3A_92 : vector<32x512xf32>
    %logistic3A_94 = arith.negf %add3A_77 : vector<32x512xf32>
    %logistic3A_95 = math.exp %logistic3A_94 : vector<32x512xf32>
    %logistic3A_96 = arith.constant 1.000000e+00 : f32
    %logistic3A_97 = vector.broadcast %logistic3A_96 : f32 to vector<32x512xf32>
    %logistic3A_98 = arith.addf %logistic3A_97, %logistic3A_95 : vector<32x512xf32>
    %logistic3A_99 = arith.divf %logistic3A_97, %logistic3A_98 : vector<32x512xf32>
    %tanh3A_100 = math.tanh %add3A_93 : vector<32x512xf32>
    %mul3A_101 = arith.mulf %logistic3A_99, %tanh3A_100 : vector<32x512xf32>
    %swap3A = arith.constant 0 : index
    %swap3A_102 = arith.constant 0 : index
    %swap3A_103 = arith.constant 0 : index
    %swap3A_104 = vector.load %arg9[%swap3A, %swap3A_102, %swap3A_103] : memref<1x32x512xf32, #tpu.memory_space<vmem>>, vector<1x32x512xf32>
    %swap3A_105 = vector.shape_cast %swap3A_104 : vector<1x32x512xf32> to vector<32x512xf32>
    %swap3A_106 = vector.shape_cast %add3A_93 : vector<32x512xf32> to vector<1x32x512xf32>
    tpu.vector_store %arg9[%swap3A, %swap3A_102, %swap3A_103], %swap3A_106 {strides = array<i32>} : memref<1x32x512xf32, #tpu.memory_space<vmem>>, vector<1x32x512xf32>,
    %swap3A_107 = arith.constant 0 : index
    %swap3A_108 = arith.constant 0 : index
    %swap3A_109 = arith.constant 0 : index
    %swap3A_110 = vector.load %arg10[%swap3A_107, %swap3A_108, %swap3A_109] : memref<1x32x512xf32, #tpu.memory_space<vmem>>, vector<1x32x512xf32>
    %swap3A_111 = vector.shape_cast %swap3A_110 : vector<1x32x512xf32> to vector<32x512xf32>
    %swap3A_112 = vector.shape_cast %mul3A_101 : vector<32x512xf32> to vector<1x32x512xf32>
    tpu.vector_store %arg10[%swap3A_107, %swap3A_108, %swap3A_109], %swap3A_112 {strides = array<i32>} : memref<1x32x512xf32, #tpu.memory_space<vmem>>, vector<1x32x512xf32>,
    return
  }
  func.func @transform_0(%arg0: i32, %arg1: i32) -> (i32, i32) {
    %c0_i32 = arith.constant 0 : i32
    %c0_i32_0 = arith.constant 0 : i32
    %c0_i32_1 = arith.constant 0 : i32
    return %c0_i32, %c0_i32_0 : i32, i32
  }
  func.func @transform_1(%arg0: i32, %arg1: i32) -> (i32, i32) {
    %mul3A = arith.constant 4 : i32
    %mul3A_0 = arith.muli %mul3A, %arg1 : i32
    %add3A = arith.constant 0 : i32
    %add3A_1 = arith.addi %mul3A_0, %add3A : i32
    %mul3A_2 = arith.constant 2 : i32
    %mul3A_3 = arith.muli %mul3A_2, %add3A_1 : i32
    %add3A_4 = arith.addi %mul3A_3, %arg0 : i32
    %c0_i32 = arith.constant 0 : i32
    %c0_i32_5 = arith.constant 0 : i32
    return %c0_i32, %add3A_4 : i32, i32
  }
  func.func @transform_2(%arg0: i32, %arg1: i32) -> (i32, i32) {
    %mul3A = arith.constant 4 : i32
    %mul3A_0 = arith.muli %mul3A, %arg1 : i32
    %add3A = arith.constant 1 : i32
    %add3A_1 = arith.addi %mul3A_0, %add3A : i32
    %mul3A_2 = arith.constant 2 : i32
    %mul3A_3 = arith.muli %mul3A_2, %add3A_1 : i32
    %add3A_4 = arith.addi %mul3A_3, %arg0 : i32
    %c0_i32 = arith.constant 0 : i32
    %c0_i32_5 = arith.constant 0 : i32
    return %c0_i32, %add3A_4 : i32, i32
  }
  func.func @transform_3(%arg0: i32, %arg1: i32) -> (i32, i32) {
    %mul3A = arith.constant 4 : i32
    %mul3A_0 = arith.muli %mul3A, %arg1 : i32
    %add3A = arith.constant 2 : i32
    %add3A_1 = arith.addi %mul3A_0, %add3A : i32
    %mul3A_2 = arith.constant 2 : i32
    %mul3A_3 = arith.muli %mul3A_2, %add3A_1 : i32
    %add3A_4 = arith.addi %mul3A_3, %arg0 : i32
    %c0_i32 = arith.constant 0 : i32
    %c0_i32_5 = arith.constant 0 : i32
    return %c0_i32, %add3A_4 : i32, i32
  }
  func.func @transform_4(%arg0: i32, %arg1: i32) -> (i32, i32) {
    %mul3A = arith.constant 4 : i32
    %mul3A_0 = arith.muli %mul3A, %arg1 : i32
    %add3A = arith.constant 3 : i32
    %add3A_1 = arith.addi %mul3A_0, %add3A : i32
    %mul3A_2 = arith.constant 2 : i32
    %mul3A_3 = arith.muli %mul3A_2, %add3A_1 : i32
    %add3A_4 = arith.addi %mul3A_3, %arg0 : i32
    %c0_i32 = arith.constant 0 : i32
    %c0_i32_5 = arith.constant 0 : i32
    return %c0_i32, %add3A_4 : i32, i32
  }
  func.func @transform_5(%arg0: i32, %arg1: i32) -> (i32, i32, i32) {
    %c0_i32 = arith.constant 0 : i32
    %c0_i32_0 = arith.constant 0 : i32
    %c0_i32_1 = arith.constant 0 : i32
    return %arg1, %c0_i32, %c0_i32_0 : i32, i32, i32
  }
  func.func @transform_6(%arg0: i32, %arg1: i32) -> (i32, i32) {
    %c0_i32 = arith.constant 0 : i32
    %c0_i32_0 = arith.constant 0 : i32
    return %c0_i32, %arg0 : i32, i32
  }
  func.func @transform_7(%arg0: i32, %arg1: i32) -> (i32, i32, i32) {
    %c0_i32 = arith.constant 0 : i32
    %c0_i32_0 = arith.constant 0 : i32
    return %arg1, %c0_i32, %arg0 : i32, i32, i32
  }
  func.func @transform_8(%arg0: i32, %arg1: i32) -> (i32, i32, i32) {
    %c0_i32 = arith.constant 0 : i32
    %c0_i32_0 = arith.constant 0 : i32
    return %arg1, %c0_i32, %arg0 : i32, i32, i32
  }
}

module attributes {stable_mosaic.version = 14 : i64} {
  func.func @_tcb_body(%arg0: i32, %arg1: i32, %arg2: memref<32x2048xf32, #tpu.memory_space<vmem>>, %arg3: memref<2048x512xf32, #tpu.memory_space<vmem>>, %arg4: memref<2048x512xf32, #tpu.memory_space<vmem>>, %arg5: memref<2048x512xf32, #tpu.memory_space<vmem>>, %arg6: memref<2048x512xf32, #tpu.memory_space<vmem>>, %arg7: memref<1x8x512xf32, #tpu.memory_space<vmem>>, %arg8: memref<32x16xf32, #tpu.memory_space<vmem>>, %arg9: memref<32x512xf32, #tpu.memory_space<vmem>>, %arg10: memref<4x32x512xf32, #tpu.memory_space<vmem>>, %arg11: memref<4x32x512xf32, #tpu.memory_space<vmem>>, %arg12: memref<32x512xf32, #tpu.memory_space<vmem>>, %arg13: memref<32x512xf32, #tpu.memory_space<vmem>>) attributes {dimension_semantics = [#tpu.dimension_semantics<arbitrary>, #tpu.dimension_semantics<arbitrary>], iteration_bounds = array<i64: 2, 12>, scalar_prefetch = 0 : i64, scratch_operands = 0 : i64, tpu.core_type = #tpu.core_type<tc>, window_params = [{pipeline_mode = #tpu.pipeline_mode<synchronous>, transform_indices = @transform_0, window_bounds = array<i64: 32, 2048>}, {transform_indices = @transform_1, window_bounds = array<i64: 2048, 512>}, {transform_indices = @transform_2, window_bounds = array<i64: 2048, 512>}, {transform_indices = @transform_3, window_bounds = array<i64: 2048, 512>}, {transform_indices = @transform_4, window_bounds = array<i64: 2048, 512>}, {transform_indices = @transform_5, window_bounds = array<i64: 1, 8, 512>}, {pipeline_mode = #tpu.pipeline_mode<synchronous>, transform_indices = @transform_6, window_bounds = array<i64: 32, 16>}, {transform_indices = @transform_7, window_bounds = array<i64: 32, 512>}, {transform_indices = @transform_8, window_bounds = array<i64: 4, 32, 512>}, {transform_indices = @transform_9, window_bounds = array<i64: 4, 32, 512>}, {transform_indices = @transform_10, window_bounds = array<i64: 32, 512>}, {transform_indices = @transform_11, window_bounds = array<i64: 32, 512>}]} {
    %eq3A = arith.constant 0 : i32
    %eq3A_0 = arith.cmpi eq, %arg1, %eq3A : i32
    %convert_element_type3A = arith.extui %eq3A_0 : i1 to i32
    %cond3A = arith.constant 0 : i32
    %cond3A_1 = arith.cmpi ne, %convert_element_type3A, %cond3A : i32
    scf.if %cond3A_1 {
      %broadcast_in_dim3A = arith.constant 0.000000e+00 : f32
      %broadcast_in_dim3A_133 = vector.broadcast %broadcast_in_dim3A : f32 to vector<32x512xf32>
      %broadcast_in_dim3A_134 = arith.constant 0.000000e+00 : f32
      %broadcast_in_dim3A_135 = vector.broadcast %broadcast_in_dim3A_134 : f32 to vector<32x512xf32>
      %iota3A_136 = tpu.iota {dimensions = array<i32: 0>} : vector<16x1xi32>
      %eq3A_137 = arith.constant 0 : i32
      %eq3A_138 = vector.broadcast %eq3A_137 : i32 to vector<16x1xi32>
      %eq3A_139 = arith.cmpi eq, %iota3A_136, %eq3A_138 : vector<16x1xi32>
      %convert_element_type3A_140 = arith.extui %eq3A_139 : vector<16x1xi1> to vector<16x1xi32>
      %convert_element_type3A_141 = arith.sitofp %convert_element_type3A_140 : vector<16x1xi32> to vector<16x1xf32>
      %get3A_142 = arith.constant 0 : index
      %get3A_143 = arith.constant 0 : index
      %get3A_144 = vector.load %arg8[%get3A_142, %get3A_143] : memref<32x16xf32, #tpu.memory_space<vmem>>, vector<32x16xf32>
      %dot_general3A_145 = arith.constant dense<0.000000e+00> : vector<32x1xf32>
      %dot_general3A_146 = tpu.matmul %get3A_144, %convert_element_type3A_141, %dot_general3A_145 {dimension_numbers = #tpu.dot_dimension_numbers<[1], [0], [0], [1], [0, 0, 1, 1], [], []>, transpose_lhs_hint = false} : vector<32x16xf32>, vector<16x1xf32>, vector<32x1xf32> -> vector<32x1xf32>
      %get3A_147 = arith.constant 0 : index
      %get3A_148 = arith.constant 0 : index
      %get3A_149 = arith.constant 0 : index
      %get3A_150 = vector.load %arg10[%get3A_147, %get3A_148, %get3A_149] : memref<4x32x512xf32, #tpu.memory_space<vmem>>, vector<1x32x512xf32>
      %get3A_151 = vector.shape_cast %get3A_150 : vector<1x32x512xf32> to vector<32x512xf32>
      %mul3A_152 = vector.broadcast %dot_general3A_146 : vector<32x1xf32> to vector<32x512xf32>
      %mul3A_153 = arith.mulf %mul3A_152, %get3A_151 : vector<32x512xf32>
      %add3A_154 = arith.addf %broadcast_in_dim3A_133, %mul3A_153 : vector<32x512xf32>
      %get3A_155 = arith.constant 0 : index
      %get3A_156 = arith.constant 0 : index
      %get3A_157 = arith.constant 0 : index
      %get3A_158 = vector.load %arg11[%get3A_155, %get3A_156, %get3A_157] : memref<4x32x512xf32, #tpu.memory_space<vmem>>, vector<1x32x512xf32>
      %get3A_159 = vector.shape_cast %get3A_158 : vector<1x32x512xf32> to vector<32x512xf32>
      %mul3A_160 = vector.broadcast %dot_general3A_146 : vector<32x1xf32> to vector<32x512xf32>
      %mul3A_161 = arith.mulf %mul3A_160, %get3A_159 : vector<32x512xf32>
      %add3A_162 = arith.addf %broadcast_in_dim3A_135, %mul3A_161 : vector<32x512xf32>
      %iota3A_163 = tpu.iota {dimensions = array<i32: 0>} : vector<16x1xi32>
      %eq3A_164 = arith.constant 1 : i32
      %eq3A_165 = vector.broadcast %eq3A_164 : i32 to vector<16x1xi32>
      %eq3A_166 = arith.cmpi eq, %iota3A_163, %eq3A_165 : vector<16x1xi32>
      %convert_element_type3A_167 = arith.extui %eq3A_166 : vector<16x1xi1> to vector<16x1xi32>
      %convert_element_type3A_168 = arith.sitofp %convert_element_type3A_167 : vector<16x1xi32> to vector<16x1xf32>
      %get3A_169 = arith.constant 0 : index
      %get3A_170 = arith.constant 0 : index
      %get3A_171 = vector.load %arg8[%get3A_169, %get3A_170] : memref<32x16xf32, #tpu.memory_space<vmem>>, vector<32x16xf32>
      %dot_general3A_172 = arith.constant dense<0.000000e+00> : vector<32x1xf32>
      %dot_general3A_173 = tpu.matmul %get3A_171, %convert_element_type3A_168, %dot_general3A_172 {dimension_numbers = #tpu.dot_dimension_numbers<[1], [0], [0], [1], [0, 0, 1, 1], [], []>, transpose_lhs_hint = false} : vector<32x16xf32>, vector<16x1xf32>, vector<32x1xf32> -> vector<32x1xf32>
      %get3A_174 = arith.constant 1 : index
      %get3A_175 = arith.constant 0 : index
      %get3A_176 = arith.constant 0 : index
      %get3A_177 = vector.load %arg10[%get3A_174, %get3A_175, %get3A_176] : memref<4x32x512xf32, #tpu.memory_space<vmem>>, vector<1x32x512xf32>
      %get3A_178 = vector.shape_cast %get3A_177 : vector<1x32x512xf32> to vector<32x512xf32>
      %mul3A_179 = vector.broadcast %dot_general3A_173 : vector<32x1xf32> to vector<32x512xf32>
      %mul3A_180 = arith.mulf %mul3A_179, %get3A_178 : vector<32x512xf32>
      %add3A_181 = arith.addf %add3A_154, %mul3A_180 : vector<32x512xf32>
      %get3A_182 = arith.constant 1 : index
      %get3A_183 = arith.constant 0 : index
      %get3A_184 = arith.constant 0 : index
      %get3A_185 = vector.load %arg11[%get3A_182, %get3A_183, %get3A_184] : memref<4x32x512xf32, #tpu.memory_space<vmem>>, vector<1x32x512xf32>
      %get3A_186 = vector.shape_cast %get3A_185 : vector<1x32x512xf32> to vector<32x512xf32>
      %mul3A_187 = vector.broadcast %dot_general3A_173 : vector<32x1xf32> to vector<32x512xf32>
      %mul3A_188 = arith.mulf %mul3A_187, %get3A_186 : vector<32x512xf32>
      %add3A_189 = arith.addf %add3A_162, %mul3A_188 : vector<32x512xf32>
      %iota3A_190 = tpu.iota {dimensions = array<i32: 0>} : vector<16x1xi32>
      %eq3A_191 = arith.constant 2 : i32
      %eq3A_192 = vector.broadcast %eq3A_191 : i32 to vector<16x1xi32>
      %eq3A_193 = arith.cmpi eq, %iota3A_190, %eq3A_192 : vector<16x1xi32>
      %convert_element_type3A_194 = arith.extui %eq3A_193 : vector<16x1xi1> to vector<16x1xi32>
      %convert_element_type3A_195 = arith.sitofp %convert_element_type3A_194 : vector<16x1xi32> to vector<16x1xf32>
      %get3A_196 = arith.constant 0 : index
      %get3A_197 = arith.constant 0 : index
      %get3A_198 = vector.load %arg8[%get3A_196, %get3A_197] : memref<32x16xf32, #tpu.memory_space<vmem>>, vector<32x16xf32>
      %dot_general3A_199 = arith.constant dense<0.000000e+00> : vector<32x1xf32>
      %dot_general3A_200 = tpu.matmul %get3A_198, %convert_element_type3A_195, %dot_general3A_199 {dimension_numbers = #tpu.dot_dimension_numbers<[1], [0], [0], [1], [0, 0, 1, 1], [], []>, transpose_lhs_hint = false} : vector<32x16xf32>, vector<16x1xf32>, vector<32x1xf32> -> vector<32x1xf32>
      %get3A_201 = arith.constant 2 : index
      %get3A_202 = arith.constant 0 : index
      %get3A_203 = arith.constant 0 : index
      %get3A_204 = vector.load %arg10[%get3A_201, %get3A_202, %get3A_203] : memref<4x32x512xf32, #tpu.memory_space<vmem>>, vector<1x32x512xf32>
      %get3A_205 = vector.shape_cast %get3A_204 : vector<1x32x512xf32> to vector<32x512xf32>
      %mul3A_206 = vector.broadcast %dot_general3A_200 : vector<32x1xf32> to vector<32x512xf32>
      %mul3A_207 = arith.mulf %mul3A_206, %get3A_205 : vector<32x512xf32>
      %add3A_208 = arith.addf %add3A_181, %mul3A_207 : vector<32x512xf32>
      %get3A_209 = arith.constant 2 : index
      %get3A_210 = arith.constant 0 : index
      %get3A_211 = arith.constant 0 : index
      %get3A_212 = vector.load %arg11[%get3A_209, %get3A_210, %get3A_211] : memref<4x32x512xf32, #tpu.memory_space<vmem>>, vector<1x32x512xf32>
      %get3A_213 = vector.shape_cast %get3A_212 : vector<1x32x512xf32> to vector<32x512xf32>
      %mul3A_214 = vector.broadcast %dot_general3A_200 : vector<32x1xf32> to vector<32x512xf32>
      %mul3A_215 = arith.mulf %mul3A_214, %get3A_213 : vector<32x512xf32>
      %add3A_216 = arith.addf %add3A_189, %mul3A_215 : vector<32x512xf32>
      %iota3A_217 = tpu.iota {dimensions = array<i32: 0>} : vector<16x1xi32>
      %eq3A_218 = arith.constant 3 : i32
      %eq3A_219 = vector.broadcast %eq3A_218 : i32 to vector<16x1xi32>
      %eq3A_220 = arith.cmpi eq, %iota3A_217, %eq3A_219 : vector<16x1xi32>
      %convert_element_type3A_221 = arith.extui %eq3A_220 : vector<16x1xi1> to vector<16x1xi32>
      %convert_element_type3A_222 = arith.sitofp %convert_element_type3A_221 : vector<16x1xi32> to vector<16x1xf32>
      %get3A_223 = arith.constant 0 : index
      %get3A_224 = arith.constant 0 : index
      %get3A_225 = vector.load %arg8[%get3A_223, %get3A_224] : memref<32x16xf32, #tpu.memory_space<vmem>>, vector<32x16xf32>
      %dot_general3A_226 = arith.constant dense<0.000000e+00> : vector<32x1xf32>
      %dot_general3A_227 = tpu.matmul %get3A_225, %convert_element_type3A_222, %dot_general3A_226 {dimension_numbers = #tpu.dot_dimension_numbers<[1], [0], [0], [1], [0, 0, 1, 1], [], []>, transpose_lhs_hint = false} : vector<32x16xf32>, vector<16x1xf32>, vector<32x1xf32> -> vector<32x1xf32>
      %get3A_228 = arith.constant 3 : index
      %get3A_229 = arith.constant 0 : index
      %get3A_230 = arith.constant 0 : index
      %get3A_231 = vector.load %arg10[%get3A_228, %get3A_229, %get3A_230] : memref<4x32x512xf32, #tpu.memory_space<vmem>>, vector<1x32x512xf32>
      %get3A_232 = vector.shape_cast %get3A_231 : vector<1x32x512xf32> to vector<32x512xf32>
      %mul3A_233 = vector.broadcast %dot_general3A_227 : vector<32x1xf32> to vector<32x512xf32>
      %mul3A_234 = arith.mulf %mul3A_233, %get3A_232 : vector<32x512xf32>
      %add3A_235 = arith.addf %add3A_208, %mul3A_234 : vector<32x512xf32>
      %get3A_236 = arith.constant 3 : index
      %get3A_237 = arith.constant 0 : index
      %get3A_238 = arith.constant 0 : index
      %get3A_239 = vector.load %arg11[%get3A_236, %get3A_237, %get3A_238] : memref<4x32x512xf32, #tpu.memory_space<vmem>>, vector<1x32x512xf32>
      %get3A_240 = vector.shape_cast %get3A_239 : vector<1x32x512xf32> to vector<32x512xf32>
      %mul3A_241 = vector.broadcast %dot_general3A_227 : vector<32x1xf32> to vector<32x512xf32>
      %mul3A_242 = arith.mulf %mul3A_241, %get3A_240 : vector<32x512xf32>
      %add3A_243 = arith.addf %add3A_216, %mul3A_242 : vector<32x512xf32>
      %swap3A_244 = arith.constant 0 : index
      %swap3A_245 = arith.constant 0 : index
      %swap3A_246 = vector.load %arg12[%swap3A_244, %swap3A_245] : memref<32x512xf32, #tpu.memory_space<vmem>>, vector<32x512xf32>
      tpu.vector_store %arg12[%swap3A_244, %swap3A_245], %add3A_235 {strides = array<i32>} : memref<32x512xf32, #tpu.memory_space<vmem>>, vector<32x512xf32>,
      %swap3A_247 = arith.constant 0 : index
      %swap3A_248 = arith.constant 0 : index
      %swap3A_249 = vector.load %arg13[%swap3A_247, %swap3A_248] : memref<32x512xf32, #tpu.memory_space<vmem>>, vector<32x512xf32>
      tpu.vector_store %arg13[%swap3A_247, %swap3A_248], %add3A_243 {strides = array<i32>} : memref<32x512xf32, #tpu.memory_space<vmem>>, vector<32x512xf32>,
    } else {
    }
    %get3A = arith.constant 0 : index
    %get3A_2 = arith.constant 0 : index
    %get3A_3 = vector.load %arg2[%get3A, %get3A_2] : memref<32x2048xf32, #tpu.memory_space<vmem>>, vector<32x2048xf32>
    %get3A_4 = arith.constant 0 : index
    %get3A_5 = arith.constant 0 : index
    %get3A_6 = vector.load %arg3[%get3A_4, %get3A_5] : memref<2048x512xf32, #tpu.memory_space<vmem>>, vector<2048x512xf32>
    %dot_general3A = arith.constant dense<0.000000e+00> : vector<32x512xf32>
    %dot_general3A_7 = tpu.matmul %get3A_3, %get3A_6, %dot_general3A {dimension_numbers = #tpu.dot_dimension_numbers<[1], [0], [0], [1], [0, 0, 1, 1], [], []>, transpose_lhs_hint = false} : vector<32x2048xf32>, vector<2048x512xf32>, vector<32x512xf32> -> vector<32x512xf32>
    %get3A_8 = arith.constant 0 : index
    %get3A_9 = arith.constant 0 : index
    %get3A_10 = vector.load %arg4[%get3A_8, %get3A_9] : memref<2048x512xf32, #tpu.memory_space<vmem>>, vector<2048x512xf32>
    %dot_general3A_11 = arith.constant dense<0.000000e+00> : vector<32x512xf32>
    %dot_general3A_12 = tpu.matmul %get3A_3, %get3A_10, %dot_general3A_11 {dimension_numbers = #tpu.dot_dimension_numbers<[1], [0], [0], [1], [0, 0, 1, 1], [], []>, transpose_lhs_hint = false} : vector<32x2048xf32>, vector<2048x512xf32>, vector<32x512xf32> -> vector<32x512xf32>
    %get3A_13 = arith.constant 0 : index
    %get3A_14 = arith.constant 0 : index
    %get3A_15 = vector.load %arg5[%get3A_13, %get3A_14] : memref<2048x512xf32, #tpu.memory_space<vmem>>, vector<2048x512xf32>
    %dot_general3A_16 = arith.constant dense<0.000000e+00> : vector<32x512xf32>
    %dot_general3A_17 = tpu.matmul %get3A_3, %get3A_15, %dot_general3A_16 {dimension_numbers = #tpu.dot_dimension_numbers<[1], [0], [0], [1], [0, 0, 1, 1], [], []>, transpose_lhs_hint = false} : vector<32x2048xf32>, vector<2048x512xf32>, vector<32x512xf32> -> vector<32x512xf32>
    %get3A_18 = arith.constant 0 : index
    %get3A_19 = arith.constant 0 : index
    %get3A_20 = vector.load %arg6[%get3A_18, %get3A_19] : memref<2048x512xf32, #tpu.memory_space<vmem>>, vector<2048x512xf32>
    %dot_general3A_21 = arith.constant dense<0.000000e+00> : vector<32x512xf32>
    %dot_general3A_22 = tpu.matmul %get3A_3, %get3A_20, %dot_general3A_21 {dimension_numbers = #tpu.dot_dimension_numbers<[1], [0], [0], [1], [0, 0, 1, 1], [], []>, transpose_lhs_hint = false} : vector<32x2048xf32>, vector<2048x512xf32>, vector<32x512xf32> -> vector<32x512xf32>
    %eq3A_23 = arith.constant 0 : i32
    %eq3A_24 = arith.cmpi eq, %arg0, %eq3A_23 : i32
    %get3A_25 = arith.constant 0 : index
    %get3A_26 = arith.constant 0 : index
    %get3A_27 = arith.constant 0 : index
    %get3A_28 = vector.load %arg7[%get3A_25, %get3A_26, %get3A_27] : memref<1x8x512xf32, #tpu.memory_space<vmem>>, vector<1x1x512xf32>
    %get3A_29 = vector.shape_cast %get3A_28 : vector<1x1x512xf32> to vector<1x512xf32>
    %get3A_30 = arith.constant 0 : index
    %get3A_31 = arith.constant 1 : index
    %get3A_32 = arith.constant 0 : index
    %get3A_33 = vector.load %arg7[%get3A_30, %get3A_31, %get3A_32] : memref<1x8x512xf32, #tpu.memory_space<vmem>>, vector<1x1x512xf32>
    %get3A_34 = vector.shape_cast %get3A_33 : vector<1x1x512xf32> to vector<1x512xf32>
    %select_n3A = arith.select %eq3A_24, %get3A_29, %get3A_34 : vector<1x512xf32>
    %add3A = vector.broadcast %select_n3A : vector<1x512xf32> to vector<32x512xf32>
    %add3A_35 = arith.addf %dot_general3A_7, %add3A : vector<32x512xf32>
    %eq3A_36 = arith.constant 0 : i32
    %eq3A_37 = arith.cmpi eq, %arg0, %eq3A_36 : i32
    %get3A_38 = arith.constant 0 : index
    %get3A_39 = arith.constant 2 : index
    %get3A_40 = arith.constant 0 : index
    %get3A_41 = vector.load %arg7[%get3A_38, %get3A_39, %get3A_40] : memref<1x8x512xf32, #tpu.memory_space<vmem>>, vector<1x1x512xf32>
    %get3A_42 = vector.shape_cast %get3A_41 : vector<1x1x512xf32> to vector<1x512xf32>
    %get3A_43 = arith.constant 0 : index
    %get3A_44 = arith.constant 3 : index
    %get3A_45 = arith.constant 0 : index
    %get3A_46 = vector.load %arg7[%get3A_43, %get3A_44, %get3A_45] : memref<1x8x512xf32, #tpu.memory_space<vmem>>, vector<1x1x512xf32>
    %get3A_47 = vector.shape_cast %get3A_46 : vector<1x1x512xf32> to vector<1x512xf32>
    %select_n3A_48 = arith.select %eq3A_37, %get3A_42, %get3A_47 : vector<1x512xf32>
    %add3A_49 = vector.broadcast %select_n3A_48 : vector<1x512xf32> to vector<32x512xf32>
    %add3A_50 = arith.addf %dot_general3A_12, %add3A_49 : vector<32x512xf32>
    %eq3A_51 = arith.constant 0 : i32
    %eq3A_52 = arith.cmpi eq, %arg0, %eq3A_51 : i32
    %get3A_53 = arith.constant 0 : index
    %get3A_54 = arith.constant 4 : index
    %get3A_55 = arith.constant 0 : index
    %get3A_56 = vector.load %arg7[%get3A_53, %get3A_54, %get3A_55] : memref<1x8x512xf32, #tpu.memory_space<vmem>>, vector<1x1x512xf32>
    %get3A_57 = vector.shape_cast %get3A_56 : vector<1x1x512xf32> to vector<1x512xf32>
    %get3A_58 = arith.constant 0 : index
    %get3A_59 = arith.constant 5 : index
    %get3A_60 = arith.constant 0 : index
    %get3A_61 = vector.load %arg7[%get3A_58, %get3A_59, %get3A_60] : memref<1x8x512xf32, #tpu.memory_space<vmem>>, vector<1x1x512xf32>
    %get3A_62 = vector.shape_cast %get3A_61 : vector<1x1x512xf32> to vector<1x512xf32>
    %select_n3A_63 = arith.select %eq3A_52, %get3A_57, %get3A_62 : vector<1x512xf32>
    %add3A_64 = vector.broadcast %select_n3A_63 : vector<1x512xf32> to vector<32x512xf32>
    %add3A_65 = arith.addf %dot_general3A_17, %add3A_64 : vector<32x512xf32>
    %eq3A_66 = arith.constant 0 : i32
    %eq3A_67 = arith.cmpi eq, %arg0, %eq3A_66 : i32
    %get3A_68 = arith.constant 0 : index
    %get3A_69 = arith.constant 6 : index
    %get3A_70 = arith.constant 0 : index
    %get3A_71 = vector.load %arg7[%get3A_68, %get3A_69, %get3A_70] : memref<1x8x512xf32, #tpu.memory_space<vmem>>, vector<1x1x512xf32>
    %get3A_72 = vector.shape_cast %get3A_71 : vector<1x1x512xf32> to vector<1x512xf32>
    %get3A_73 = arith.constant 0 : index
    %get3A_74 = arith.constant 7 : index
    %get3A_75 = arith.constant 0 : index
    %get3A_76 = vector.load %arg7[%get3A_73, %get3A_74, %get3A_75] : memref<1x8x512xf32, #tpu.memory_space<vmem>>, vector<1x1x512xf32>
    %get3A_77 = vector.shape_cast %get3A_76 : vector<1x1x512xf32> to vector<1x512xf32>
    %select_n3A_78 = arith.select %eq3A_67, %get3A_72, %get3A_77 : vector<1x512xf32>
    %add3A_79 = vector.broadcast %select_n3A_78 : vector<1x512xf32> to vector<32x512xf32>
    %add3A_80 = arith.addf %dot_general3A_22, %add3A_79 : vector<32x512xf32>
    %logistic3A = arith.negf %add3A_65 : vector<32x512xf32>
    %logistic3A_81 = math.exp %logistic3A : vector<32x512xf32>
    %logistic3A_82 = arith.constant 1.000000e+00 : f32
    %logistic3A_83 = vector.broadcast %logistic3A_82 : f32 to vector<32x512xf32>
    %logistic3A_84 = arith.addf %logistic3A_83, %logistic3A_81 : vector<32x512xf32>
    %logistic3A_85 = arith.divf %logistic3A_83, %logistic3A_84 : vector<32x512xf32>
    %get3A_86 = arith.constant 0 : index
    %get3A_87 = arith.constant 0 : index
    %get3A_88 = vector.load %arg9[%get3A_86, %get3A_87] : memref<32x512xf32, #tpu.memory_space<vmem>>, vector<32x512xf32>
    %mul3A = arith.mulf %logistic3A_85, %get3A_88 : vector<32x512xf32>
    %logistic3A_89 = arith.negf %add3A_35 : vector<32x512xf32>
    %logistic3A_90 = math.exp %logistic3A_89 : vector<32x512xf32>
    %logistic3A_91 = arith.constant 1.000000e+00 : f32
    %logistic3A_92 = vector.broadcast %logistic3A_91 : f32 to vector<32x512xf32>
    %logistic3A_93 = arith.addf %logistic3A_92, %logistic3A_90 : vector<32x512xf32>
    %logistic3A_94 = arith.divf %logistic3A_92, %logistic3A_93 : vector<32x512xf32>
    %tanh3A = math.tanh %add3A_50 : vector<32x512xf32>
    %mul3A_95 = arith.mulf %logistic3A_94, %tanh3A : vector<32x512xf32>
    %add3A_96 = arith.addf %mul3A, %mul3A_95 : vector<32x512xf32>
    %logistic3A_97 = arith.negf %add3A_80 : vector<32x512xf32>
    %logistic3A_98 = math.exp %logistic3A_97 : vector<32x512xf32>
    %logistic3A_99 = arith.constant 1.000000e+00 : f32
    %logistic3A_100 = vector.broadcast %logistic3A_99 : f32 to vector<32x512xf32>
    %logistic3A_101 = arith.addf %logistic3A_100, %logistic3A_98 : vector<32x512xf32>
    %logistic3A_102 = arith.divf %logistic3A_100, %logistic3A_101 : vector<32x512xf32>
    %tanh3A_103 = math.tanh %add3A_96 : vector<32x512xf32>
    %mul3A_104 = arith.mulf %logistic3A_102, %tanh3A_103 : vector<32x512xf32>
    %add3A_105 = arith.constant 4 : i32
    %add3A_106 = arith.addi %arg1, %add3A_105 : i32
    %iota3A = tpu.iota {dimensions = array<i32: 0>} : vector<16x1xi32>
    %eq3A_107 = vector.broadcast %add3A_106 : i32 to vector<16x1xi32>
    %eq3A_108 = arith.cmpi eq, %iota3A, %eq3A_107 : vector<16x1xi32>
    %convert_element_type3A_109 = arith.extui %eq3A_108 : vector<16x1xi1> to vector<16x1xi32>
    %convert_element_type3A_110 = arith.sitofp %convert_element_type3A_109 : vector<16x1xi32> to vector<16x1xf32>
    %get3A_111 = arith.constant 0 : index
    %get3A_112 = arith.constant 0 : index
    %get3A_113 = vector.load %arg8[%get3A_111, %get3A_112] : memref<32x16xf32, #tpu.memory_space<vmem>>, vector<32x16xf32>
    %dot_general3A_114 = arith.constant dense<0.000000e+00> : vector<32x1xf32>
    %dot_general3A_115 = tpu.matmul %get3A_113, %convert_element_type3A_110, %dot_general3A_114 {dimension_numbers = #tpu.dot_dimension_numbers<[1], [0], [0], [1], [0, 0, 1, 1], [], []>, transpose_lhs_hint = false} : vector<32x16xf32>, vector<16x1xf32>, vector<32x1xf32> -> vector<32x1xf32>
    %get3A_116 = arith.constant 0 : index
    %get3A_117 = arith.constant 0 : index
    %get3A_118 = vector.load %arg12[%get3A_116, %get3A_117] : memref<32x512xf32, #tpu.memory_space<vmem>>, vector<32x512xf32>
    %mul3A_119 = vector.broadcast %dot_general3A_115 : vector<32x1xf32> to vector<32x512xf32>
    %mul3A_120 = arith.mulf %mul3A_119, %add3A_96 : vector<32x512xf32>
    %add3A_121 = arith.addf %get3A_118, %mul3A_120 : vector<32x512xf32>
    %swap3A = arith.constant 0 : index
    %swap3A_122 = arith.constant 0 : index
    %swap3A_123 = vector.load %arg12[%swap3A, %swap3A_122] : memref<32x512xf32, #tpu.memory_space<vmem>>, vector<32x512xf32>
    tpu.vector_store %arg12[%swap3A, %swap3A_122], %add3A_121 {strides = array<i32>} : memref<32x512xf32, #tpu.memory_space<vmem>>, vector<32x512xf32>,
    %get3A_124 = arith.constant 0 : index
    %get3A_125 = arith.constant 0 : index
    %get3A_126 = vector.load %arg13[%get3A_124, %get3A_125] : memref<32x512xf32, #tpu.memory_space<vmem>>, vector<32x512xf32>
    %mul3A_127 = vector.broadcast %dot_general3A_115 : vector<32x1xf32> to vector<32x512xf32>
    %mul3A_128 = arith.mulf %mul3A_127, %mul3A_104 : vector<32x512xf32>
    %add3A_129 = arith.addf %get3A_126, %mul3A_128 : vector<32x512xf32>
    %swap3A_130 = arith.constant 0 : index
    %swap3A_131 = arith.constant 0 : index
    %swap3A_132 = vector.load %arg13[%swap3A_130, %swap3A_131] : memref<32x512xf32, #tpu.memory_space<vmem>>, vector<32x512xf32>
    tpu.vector_store %arg13[%swap3A_130, %swap3A_131], %add3A_129 {strides = array<i32>} : memref<32x512xf32, #tpu.memory_space<vmem>>, vector<32x512xf32>,
    return
  }
  func.func @transform_0(%arg0: i32, %arg1: i32) -> (i32, i32) {
    %c0_i32 = arith.constant 0 : i32
    %c0_i32_0 = arith.constant 0 : i32
    %c0_i32_1 = arith.constant 0 : i32
    return %c0_i32, %c0_i32_0 : i32, i32
  }
  func.func @transform_1(%arg0: i32, %arg1: i32) -> (i32, i32) {
    %add3A = arith.constant 4 : i32
    %add3A_0 = arith.addi %arg1, %add3A : i32
    %mul3A = arith.constant 4 : i32
    %mul3A_1 = arith.muli %mul3A, %add3A_0 : i32
    %add3A_2 = arith.constant 0 : i32
    %add3A_3 = arith.addi %mul3A_1, %add3A_2 : i32
    %mul3A_4 = arith.constant 2 : i32
    %mul3A_5 = arith.muli %mul3A_4, %add3A_3 : i32
    %add3A_6 = arith.addi %mul3A_5, %arg0 : i32
    %c0_i32 = arith.constant 0 : i32
    %c0_i32_7 = arith.constant 0 : i32
    return %c0_i32, %add3A_6 : i32, i32
  }
  func.func @transform_2(%arg0: i32, %arg1: i32) -> (i32, i32) {
    %add3A = arith.constant 4 : i32
    %add3A_0 = arith.addi %arg1, %add3A : i32
    %mul3A = arith.constant 4 : i32
    %mul3A_1 = arith.muli %mul3A, %add3A_0 : i32
    %add3A_2 = arith.constant 1 : i32
    %add3A_3 = arith.addi %mul3A_1, %add3A_2 : i32
    %mul3A_4 = arith.constant 2 : i32
    %mul3A_5 = arith.muli %mul3A_4, %add3A_3 : i32
    %add3A_6 = arith.addi %mul3A_5, %arg0 : i32
    %c0_i32 = arith.constant 0 : i32
    %c0_i32_7 = arith.constant 0 : i32
    return %c0_i32, %add3A_6 : i32, i32
  }
  func.func @transform_3(%arg0: i32, %arg1: i32) -> (i32, i32) {
    %add3A = arith.constant 4 : i32
    %add3A_0 = arith.addi %arg1, %add3A : i32
    %mul3A = arith.constant 4 : i32
    %mul3A_1 = arith.muli %mul3A, %add3A_0 : i32
    %add3A_2 = arith.constant 2 : i32
    %add3A_3 = arith.addi %mul3A_1, %add3A_2 : i32
    %mul3A_4 = arith.constant 2 : i32
    %mul3A_5 = arith.muli %mul3A_4, %add3A_3 : i32
    %add3A_6 = arith.addi %mul3A_5, %arg0 : i32
    %c0_i32 = arith.constant 0 : i32
    %c0_i32_7 = arith.constant 0 : i32
    return %c0_i32, %add3A_6 : i32, i32
  }
  func.func @transform_4(%arg0: i32, %arg1: i32) -> (i32, i32) {
    %add3A = arith.constant 4 : i32
    %add3A_0 = arith.addi %arg1, %add3A : i32
    %mul3A = arith.constant 4 : i32
    %mul3A_1 = arith.muli %mul3A, %add3A_0 : i32
    %add3A_2 = arith.constant 3 : i32
    %add3A_3 = arith.addi %mul3A_1, %add3A_2 : i32
    %mul3A_4 = arith.constant 2 : i32
    %mul3A_5 = arith.muli %mul3A_4, %add3A_3 : i32
    %add3A_6 = arith.addi %mul3A_5, %arg0 : i32
    %c0_i32 = arith.constant 0 : i32
    %c0_i32_7 = arith.constant 0 : i32
    return %c0_i32, %add3A_6 : i32, i32
  }
  func.func @transform_5(%arg0: i32, %arg1: i32) -> (i32, i32, i32) {
    %add3A = arith.constant 4 : i32
    %add3A_0 = arith.addi %arg1, %add3A : i32
    %c0_i32 = arith.constant 0 : i32
    %c0_i32_1 = arith.constant 0 : i32
    %c0_i32_2 = arith.constant 0 : i32
    return %add3A_0, %c0_i32, %c0_i32_1 : i32, i32, i32
  }
  func.func @transform_6(%arg0: i32, %arg1: i32) -> (i32, i32) {
    %c0_i32 = arith.constant 0 : i32
    %c0_i32_0 = arith.constant 0 : i32
    %c0_i32_1 = arith.constant 0 : i32
    return %c0_i32, %c0_i32_0 : i32, i32
  }
  func.func @transform_7(%arg0: i32, %arg1: i32) -> (i32, i32) {
    %c0_i32 = arith.constant 0 : i32
    %c0_i32_0 = arith.constant 0 : i32
    return %c0_i32, %arg0 : i32, i32
  }
  func.func @transform_8(%arg0: i32, %arg1: i32) -> (i32, i32, i32) {
    %c0_i32 = arith.constant 0 : i32
    %c0_i32_0 = arith.constant 0 : i32
    %c0_i32_1 = arith.constant 0 : i32
    return %c0_i32, %c0_i32_0, %arg0 : i32, i32, i32
  }
  func.func @transform_9(%arg0: i32, %arg1: i32) -> (i32, i32, i32) {
    %c0_i32 = arith.constant 0 : i32
    %c0_i32_0 = arith.constant 0 : i32
    %c0_i32_1 = arith.constant 0 : i32
    return %c0_i32, %c0_i32_0, %arg0 : i32, i32, i32
  }
  func.func @transform_10(%arg0: i32, %arg1: i32) -> (i32, i32) {
    %c0_i32 = arith.constant 0 : i32
    %c0_i32_0 = arith.constant 0 : i32
    return %c0_i32, %arg0 : i32, i32
  }
  func.func @transform_11(%arg0: i32, %arg1: i32) -> (i32, i32) {
    %c0_i32 = arith.constant 0 : i32
    %c0_i32_0 = arith.constant 0 : i32
    return %c0_i32, %arg0 : i32, i32
  }
}

</mosaic_0001>

<sc_bundles>
// kernel: kernel.5.cloned.1.call-start
scs
__scs_entry_jumppad:
0x0: {  	(pc) =	sbr.rel $0x88, $3  }
0x1: {  	(tag) =	ssettag $0x0;
	lr =	simm.s32 $0x1  }
0x2: {  	[smem:$0x3F9A] =	sst lr;
	_ =	strace $0xD0000000  }
0x3: {  	_ = 	snop  }
0x4: {  	_ = 	snop  }
0x5: {  	_ = 	snop  }
0x6: {  	_ = 	snop  }
0x7: {  	_ = 	snop  }
__scs_overlays_trampoline_lowered:
0x8: {  	[smem:$0x3FA9] =	sst s0  }
0x9: {  	[smem:$0x3FAA] =	sst s1  }
0xa: {  	[smem:$0x3FAB] =	sst s2  }
0xb: {  	[smem:$0x3FAC] =	sst s3  }
0xc: {  	[smem:$0x3FAD] =	sst s4  }
0xd: {  	[smem:$0x3FAE] =	sst s5  }
0xe: {  	[smem:$0x3FAF] =	sst s6  }
0xf: {  	[smem:$0x3FB0] =	sst s7  }
0x10: {  	[smem:$0x3FB1] =	sst s8  }
0x11: {  	[smem:$0x3FB2] =	sst s9;
	s0 =	simm.s32 @!p0 $0x0  }
0x12: {  	s1 =	sld [smem:$0x3F98];
	s0 =	simm.s32 @p0 $0x1  }
0x13: {  	[smem:$0x3FB3] =	sst s0;
	s0 =	simm.s32 @!p1 $0x0  }
0x14: {  	s2 =	sld [smem:$0x3F97];
	s0 =	simm.s32 @p1 $0x1  }
0x15: {  	[smem:$0x3FB4] =	sst s0;
	s0 =	simm.s32 @!p2 $0x0  }
0x16: {  	s3 =	sld [smem:$0x3FDB];
	s0 =	simm.s32 @p2 $0x1  }
0x17: {  	s4 =	simm.s32 $0x1BF5;
	[smem:$0x3FB6] =	sst s0  }
0x18: {  	s0 =	sld [smem:$0x3F99];
	_ =	swait.ge [sflag:s4], $0x0  }
0x19: {  	s7 =	sld [smem:$0x3F9A]  }
0x1a: {  	s8 =	sadd.s32 $0xFFFFE003, lr  }
0x1b: {  	s9 =	sadd.s32 $0xFFFFFEF7, lr;
	s5 =	simm.s32 $0xFFFFFFFF;
	p2 =	slt.u32 s8, $0xFFFFF086  }
0x1c: {  	p1 =	slt.u32 s9, $0xF7A;
	s5 =	simm.s32 @!p2 $0x0  }
0x1d: {  	s5 =	simm.s32 @p1 $0x1;
	p0 =	seq.s32 s7, s2  }
0x1e: {  	s7 =	smul.u32 @!p0 $0xF7A, s2;
	p2 =	seq.s32 @!p0 s5, $0x0  }
0x1f: {  	s9 =	smul.u32 $0xF7A, s1;
	s8 =	simm.s32 @!p0 $0x1BF5;
	p2 =	por !p2, p0  }
0x20: {  	[sflag:s8] =	ssyncset.s32 @!p0 $0xFFFFF086;
	s6 =	sadd.s32 @!p0 s3, s7;
	s7 =	simm.s32 @!p0 $0x108  }
0x21: {  	s3 =	sadd.s32 s3, s9;
	s6 =	sadd.s32 @!p0 $0x88, s6;
	s7 =	simm.s32 @p2 $0x1082  }
0x22: {  	[simem:s7], [sflag:s8] =	dma.local @!p0 [hbm:s6], $0xF7A  }
0x23: {  	s9 =	sor.u32 $0xD0000000, s2;
	s6 =	simm.s32 $0x108;
	_ =	swait.ge @!p0 [sflag:s8], $0x0  }
0x24: {  	s3 =	sadd.s32 $0x88, s3;
	s6 =	simm.s32 @!p1 $0x1082;
	[sflag:s4] =	ssyncset.s32 $0xFFFFF086  }
0x25: {  	[simem:s6], [sflag:s4] =	dma.local [hbm:s3], $0xF7A  }
0x26: {  	[smem:$0x3F9A] =	sst s1;
	(tag) =	ssettag s2;
	_ =	strace s9  }
0x27: {  	s1 =	sld [smem:$0x3FAA]  }
0x28: {  	s2 =	sld [smem:$0x3FAB]  }
0x29: {  	s4 =	sld [smem:$0x3FAD]  }
0x2a: {  	p0 =	seq.s32 s5, $0x0;
	s5 =	sld [smem:$0x3FAE]  }
0x2b: {  	s6 =	sld [smem:$0x3FAF]  }
0x2c: {  	s7 =	sld [smem:$0x3FB0]  }
0x2d: {  	s3 =	simm.s32 $0x108;
	s8 =	sld [smem:$0x3FB1]  }
0x2e: {  	s3 =	simm.s32 @!p0 $0x1082;
	s9 =	sld [smem:$0x3FB2]  }
0x2f: {  	lr =	sadd.s32 s0, s3;
	s0 =	sld [smem:$0x3FA9]  }
0x30: {  	s3 =	sld [smem:$0x3FAC]  }
0x31: {  	[smem:$0x3FB5] =	sst s10  }
0x32: {  	s10 =	sld [smem:$0x3FB3];
	_ =	sdelay $0x3  }
0x33: {  	p0 =	seq.s32 s10, $0x1;
	s10 =	sld [smem:$0x3FB5];
	_ =	sdelay $0x3  }
0x34: {  	[smem:$0x3FB5] =	sst s10  }
0x35: {  	s10 =	sld [smem:$0x3FB4];
	_ =	sdelay $0x3  }
0x36: {  	p1 =	seq.s32 s10, $0x1;
	s10 =	sld [smem:$0x3FB5];
	_ =	sdelay $0x3  }
0x37: {  	[smem:$0x3FB5] =	sst s10  }
0x38: {  	s10 =	sld [smem:$0x3FB6]  }
0x39: {  	_ = 	snop;
	(pc) =	sbr.ind lr, $3  }
0x3a: {  	_ = 	snop  }
0x3b: {  	_ = 	snop  }
0x3c: {  	p2 =	seq.s32 s10, $0x1;
	s10 =	sld [smem:$0x3FB5]  }
0x3d: {  	_ =	shalt  }
0x3e: {  	_ =	shalt  }
0x3f: {  	_ =	shalt  }
0x40: {  	_ =	shalt  }
0x41: {  	_ =	shalt  }
0x42: {  	_ =	shalt  }
0x43: {  	_ =	shalt  }
0x44: {  	_ =	shalt  }
0x45: {  	_ =	shalt  }
0x46: {  	_ =	shalt  }
0x47: {  	_ =	shalt  }
0x48: {  	_ =	shalt  }
0x49: {  	_ =	shalt  }
0x4a: {  	_ =	shalt  }
0x4b: {  	_ =	shalt  }
0x4c: {  	_ =	shalt  }
0x4d: {  	_ =	shalt  }
0x4e: {  	_ =	shalt  }
0x4f: {  	_ =	shalt  }
0x50: {  	_ =	shalt  }
0x51: {  	_ =	shalt  }
0x52: {  	_ =	shalt  }
0x53: {  	_ =	shalt  }
0x54: {  	_ =	shalt  }
0x55: {  	_ =	shalt  }
0x56: {  	_ =	shalt  }
0x57: {  	_ =	shalt  }
0x58: {  	_ =	shalt  }
0x59: {  	_ =	shalt  }
0x5a: {  	_ =	shalt  }
0x5b: {  	_ =	shalt  }
0x5c: {  	_ =	shalt  }
0x5d: {  	_ =	shalt  }
0x5e: {  	_ =	shalt  }
0x5f: {  	_ =	shalt  }
0x60: {  	_ =	shalt  }
0x61: {  	_ =	shalt  }
0x62: {  	_ =	shalt  }
0x63: {  	_ =	shalt  }
0x64: {  	_ =	shalt  }
0x65: {  	_ =	shalt  }
0x66: {  	_ =	shalt  }
0x67: {  	_ =	shalt  }
0x68: {  	_ =	shalt  }
0x69: {  	_ =	shalt  }
0x6a: {  	_ =	shalt  }
0x6b: {  	_ =	shalt  }
0x6c: {  	_ =	shalt  }
0x6d: {  	_ =	shalt  }
0x6e: {  	_ =	shalt  }
0x6f: {  	_ =	shalt  }
0x70: {  	_ =	shalt  }
0x71: {  	_ =	shalt  }
0x72: {  	_ =	shalt  }
0x73: {  	_ =	shalt  }
0x74: {  	_ =	shalt  }
0x75: {  	_ =	shalt  }
0x76: {  	_ =	shalt  }
0x77: {  	_ =	shalt  }
0x78: {  	_ =	shalt  }
0x79: {  	_ =	shalt  }
0x7a: {  	_ =	shalt  }
0x7b: {  	_ =	shalt  }
0x7c: {  	_ =	shalt  }
0x7d: {  	_ =	shalt  }
0x7e: {  	_ =	shalt  }
0x7f: {  	_ =	shalt  }
0x80: {  	_ =	shalt  }
0x81: {  	_ =	shalt  }
0x82: {  	_ =	shalt  }
0x83: {  	_ =	shalt  }
0x84: {  	_ =	shalt  }
0x85: {  	_ =	shalt  }
0x86: {  	_ =	shalt  }
0x87: {  	_ =	shalt  }
.Lfunc_end0:
.L_simem_size_0:
called_computation_lowered:
.L_overlay_start_0:
0x88: {  	s2 =	sld [smem:$0x3FD9]  }
0x89: {  	s3 =	sld [smem:$0x3FFE];
	_ =	sdelay $0x1  }
0x8a: {  	s1 =	srdreg.scid  }
0x8b: {  	s0 =	sand.u32 $0x1, s1  }
0x8c: {  	s14 =	sshll.u32 s0, $0xA;
	s2 =	sadd.s32 s3, s2  }
0x8d: {  	s2 =	sadd.s32 s2, s14  }
0x8e: {  	[smem:$0x3FC1] =	sst s2  }
0x8f: {  	_ = 	snop  }
0x90: {  	s2 =	sld [smem:$0x3FD0];
	_ =	sdelay $0x2  }
0x91: {  	s4 =	simm.s32 $0xA;
	s5 =	simm.s32 $0x10;
	s15 =	sld [smem:$0x3FC3]  }
0x92: {  	[smem:s5], [sflag:s4] =	dma.local [hbm:s2], $0x1  }
0x93: {  	_ =	swait.eq [sflag:s4], $0x1  }
0x94: {  	[sflag:s4] =	ssyncset.done $0x0  }
0x95: {  	[sflag:s4] =	ssyncadd.s32 $0xFFFFFFFF  }
0x96: {  	s16 =	sld [smem:$0x12];
	(tm) =	ssettm $0x1  }
0x97: {  	s17 =	sld [smem:$0x3FFB];
	_ =	sdelay $0x3  }
0x98: {  	_ =	strace s17  }
0x99: {  	s4 =	sld [smem:$0x3FFC];
	_ =	sdelay $0x3  }
0x9a: {  	_ =	strace s4  }
0x9b: {  	s4 =	sld [smem:$0x3FFD];
	_ =	sdelay $0x3  }
0x9c: {  	_ =	strace s4  }
0x9d: {  	_ =	strace $0x8FFFFFFF  }
0x9e: {  	s18 =	sld [smem:$0x3FDB];
	_ =	sdelay $0x1  }
0x9f: {  	s19 =	simm.s32 $_scs_section_size  }
0xa0: {  	s6 =	simm.s32 $_size__tile_overlayer_lowered;
	s7 =	simm.s32 $_tile_overlayer_lowered  }
0xa1: {  	s22 =	simm.s32 $0x1BFF;
	s21 =	sshll.u32 s7, $0x1;
	s4 =	sadd.s32 s19, s18  }
0xa2: {  	s8 =	simm.s32 $0x0;
	s20 =	sshll.u32 s6, $0x1;
	s6 =	sadd.s32 s21, s4  }
0xa3: {  	[timem:s8], [sflag:s22] =	dma.local [hbm:s6], s20  }
0xa4: {  	_ =	swait.ge [sflag:s22], s20  }
0xa5: {  	s5 =	ssub.s32 $0x0, s20;
	[sflag:s22] =	ssyncset.done $0x0  }
0xa6: {  	[sflag:s22] =	ssyncadd.s32 s5;
	_ =	sdelay $0x1  }
0xa7: {  	s23 =	simm.s32 $0x1B8B  }
0xa8: {  	_ =	swait.ge [sflag:s23], $0x1  }
0xa9: {  	[sflag:s23] =	ssyncset.done $0x0  }
0xaa: {  	s25 =	simm.s32 $0x1B8E;
	s24 =	sld [smem:$0x3FFE];
	[sflag:s23] =	ssyncadd.s32 $0xFFFFFFFF  }
0xab: {  	s26 =	simm.s32 $execute0_lowered;
	[smem:$0x3FD2] =	sst s25  }
0xac: {  	s6 =	sshll.u32 s26, $0x1;
	_ =	strace $0x80000046;
	[dreg:$0x1] =	wrdreg $0xFFFFFFFF  }
0xad: {  	s28 =	simm.s32 $_size_execute0_lowered;
	s4 =	sadd.s32 s4, s6;
	[dreg:$0x0] =	wrdreg $0x0  }
0xae: {  	s6 =	sshll.u32 s28, $0x1;
	[dreg:$0x2] =	wrdreg s4  }
0xaf: {  	[dreg:$0x3] =	wrdreg s6  }
0xb0: {  	[dreg:$0x4] =	wrdreg $0xC0  }
0xb1: {  	_ =	task [dreg:s8], $0x5FFFF  }
0xb2: {  	[dreg:$0x1] =	wrdreg $0xFFFFFFFF  }
0xb3: {  	[dreg:$0x0] =	wrdreg $0x60  }
0xb4: {  	[dreg:$0x2] =	wrdreg s24  }
0xb5: {  	[dreg:$0x3] =	wrdreg s16  }
0xb6: {  	[dreg:$0x4] =	wrdreg s15  }
0xb7: {  	[dreg:$0x5] =	wrdreg $0x9  }
0xb8: {  	_ =	task.clear_ibuf [dreg:s8], $0x6FFFF;
	_ =	strace $0x90000046  }
0xb9: {  	s29 =	simm.s32 $0x9;
	_ =	strace $0x80000048  }
0xba: {  	_ =	swait.ge [sflag:s29], $0x1  }
0xbb: {  	[sflag:s29] =	ssyncadd.s32 $0xFFFFFFFF  }
0xbc: {  	_ =	strace $0x90000048  }
0xbd: {  	_ =	sfence  }
0xbe: {  	s30 =	sld [smem:$0x0];
	_ =	sdelay $0x2  }
0xbf: {  	s31 =	sshll.u32 s1, $0xD;
	s1 =	sshrl.u32 s1, $0x2  }
0xc0: {  	s3 =	sand.u32 $0x4000, s31;
	s1 =	sadd.s32 s1, s30  }
0xc1: {  	s0 =	sor.u32 s3, s0;
	s1 =	sshll.u32 s1, $0x11  }
0xc2: {  	s0 =	sor.u32 s1, s0  }
0xc3: {  	s0 =	sadd.s32 $0x8F2B, s0  }
0xc4: {  	[sflag:s0] =	ssyncadd.remote.s32 $0x1  }
0xc5: {  	_ =	sfence.sel $0xFFFF  }
0xc6: {  	[dreg:$0x0] =	wrdreg $0xFFFFFFFF;
	(pc) =	sbr.abs _section_cstart, $3  }
0xc7: {  	[dreg:$0x1] =	wrdreg $0xFFFFFFFF  }
0xc8: {  	_ =	task.clear_ibuf [dreg:s8], $0x2FFFF;
	_ =	strace $0x9FFFFFFF  }
0xc9: {  	(tm) =	ssettm $0x7FFFFFFF  }
tec
execute0_lowered:
.L_overlay_start_1:
0x0: {  	(tag) =	ssettag $0x1  }
0x1: {  	s5 =	rddreg [dreg:$0x0]  }
0x2: {  	s1 =	rddreg [dreg:$0x1]  }
0x3: {  	s2 =	rddreg [dreg:$0x2]  }
0x4: {  	s0 =	rddreg [dreg:$0x3];
	s4 =	simm.s32 $0x0  }
0x5: {  	s6 =	srdreg.scid;
	s3 =	stileid.u32;
	s10 =	simm.s32 $0x8000  }
0x6: {  	s11 =	simm.s32 $0x8800;
	s12 =	simm.s32 $0x8880;
	s13 =	simm.s32 $0x0  }
0x7: {  	[smem:$0x7FF] =	sst s4;
	s6 =	sand.u32 $0x1, s6;
	s7 =	sshll.u32 s3, $0x8  }
0x8: {  	s8 =	sshrl.u32 s3, $0x2;
	s9 =	sshll.u32 s6, $0x7;
	s7 =	sand.u32 $0x300, s7  }
0x9: {  	s29 =	sshll.u32 s8, $0xE;
	s8 =	sshll.u32 s8, $0xA;
	s7 =	sor.u32 s9, s7  }
0xa: {  	_ =	strace $0x80000047;
	s9 =	sor.u32 s29, s7;
	s7 =	sor.u32 s8, s7  }
0xb: {  	s6 =	ssub.s32 $0x2, s6;
	s30 =	sshrl.u32 s9, $0x3;
	s7 =	sshrl.u32 s7, $0x3  }
0xc: {  	s31 =	sshrl.u32 s6, $0x1;
	s8 =	sadd.s32 s30, s5;
	s7 =	sadd.s32 s7, s5  }
0xd: {  	s9 =	ssub.s32 s6, s31;
	s5 =	sadd.s32 $0xA00, s8;
	s6 =	sadd.s32 $0x2A00, s7  }
0xe: {  	v0 =	vlaneseq.u32;
	s7 =	smax.u32 s9, $0x1;
	s8 =	simm.s32 $0x1;
	s9 =	simm.s32 $0x400  }
.LBB2_1:
0xf: {  	[tilespmem:s4], [sflag:$0x1] =	stream.linear.gather [hbm4b:s1+s4], $0x8000, $0x38;
	[tilespmem:$0x8900] =	vst v63  }
0x10: {  	_ =	swait.ge [sflag:s8], $0x8000  }
0x11: {  	[sflag:s8] =	ssyncset.done $0x0  }
0x12: {  	s14 =	simm.s32 $0x80;
	[sflag:s8] =	ssyncadd.s32 $0xFFFF8000  }
0x13: {  	[tilespmem:s10], [sflag:$0x1] =	stream.strided.gather [hbm4b:s5+s14], $0x800, s9, s14, $0x38;
	[tilespmem:$0x8900] =	vst v63  }
0x14: {  	_ =	swait.ge [sflag:s8], $0x800  }
0x15: {  	[sflag:s8] =	ssyncset.done $0x0  }
0x16: {  	[sflag:s8] =	ssyncadd.s32 $0xFFFFF800  }
0x17: {  	[tilespmem:s11], [sflag:$0x1] =	stream.linear.gather [hbm4b:s2+s4], $0x80, $0x38;
	[tilespmem:$0x8900] =	vst v63  }
0x18: {  	_ =	swait.ge [sflag:s8], $0x80  }
0x19: {  	[sflag:s8] =	ssyncset.done $0x0  }
0x1a: {  	s15 =	simm.s32 $0x0;
	[sflag:s8] =	ssyncadd.s32 $0xFFFFFF80  }
0x1b: {  	v1 =	vld [tilespmem:s15+$0x8000];
	_ =	sdelay $0x1  }
0x1c: {  	v2 =	vld [tilespmem:s14+$0xFFFFFF80];
	_ =	sdelay $0x1  }
0x1d: {  	v3 =	vld [tilespmem:s14+$0xFFFFFF90]  }
0x1e: {  	v4 =	vbroadcast v1, $0x0  }
0x1f: {  	v5 =	vld [tilespmem:s14+$0xFFFFFFA0]  }
0x20: {  	v2 =	vmul.f32 v2, v4;
	v4 =	vbroadcast v1, $0x1  }
0x21: {  	v6 =	vimm.f32 $0.0e+00;
	v7 =	vld [tilespmem:s14+$0xFFFFFFB0]  }
0x22: {  	v2 =	vadd.f32 v2, v6;
	v3 =	vmul.f32 v3, v4;
	v4 =	vbroadcast v1, $0x2  }
0x23: {  	v6 =	vld [tilespmem:s14+$0xFFFFFFC0]  }
0x24: {  	v2 =	vadd.f32 v3, v2;
	v3 =	vmul.f32 v5, v4;
	v4 =	vbroadcast v1, $0x3  }
0x25: {  	v5 =	vld [tilespmem:s14+$0xFFFFFFD0]  }
0x26: {  	v2 =	vadd.f32 v3, v2;
	v3 =	vmul.f32 v7, v4;
	v4 =	vbroadcast v1, $0x4  }
0x27: {  	v7 =	vld [tilespmem:s14+$0xFFFFFFE0]  }
0x28: {  	v2 =	vadd.f32 v3, v2;
	v3 =	vmul.f32 v6, v4;
	v4 =	vbroadcast v1, $0x5  }
0x29: {  	v6 =	vld [tilespmem:s14+$0xFFFFFFF0]  }
0x2a: {  	v2 =	vadd.f32 v3, v2;
	v3 =	vmul.f32 v5, v4;
	v4 =	vbroadcast v1, $0x6  }
0x2b: {  	v5 =	vld [tilespmem:s14+$0x0]  }
0x2c: {  	v2 =	vadd.f32 v3, v2;
	v3 =	vmul.f32 v7, v4;
	v4 =	vbroadcast v1, $0x7  }
0x2d: {  	v7 =	vld [tilespmem:s14+$0x10]  }
0x2e: {  	v2 =	vadd.f32 v3, v2;
	v3 =	vmul.f32 v6, v4;
	v4 =	vbroadcast v1, $0x8  }
0x2f: {  	v6 =	vld [tilespmem:s14+$0x20]  }
0x30: {  	v2 =	vadd.f32 v3, v2;
	v3 =	vmul.f32 v5, v4;
	v4 =	vbroadcast v1, $0x9  }
0x31: {  	v5 =	vld [tilespmem:s14+$0x30]  }
0x32: {  	v2 =	vadd.f32 v3, v2;
	v3 =	vmul.f32 v7, v4;
	v4 =	vbroadcast v1, $0xA  }
0x33: {  	v7 =	vld [tilespmem:s14+$0x40]  }
0x34: {  	v2 =	vadd.f32 v3, v2;
	v3 =	vmul.f32 v6, v4;
	v6 =	vbroadcast v1, $0xB  }
0x35: {  	v4 =	vld [tilespmem:s14+$0x50]  }
0x36: {  	v3 =	vadd.f32 v3, v2;
	v5 =	vmul.f32 v5, v6;
	v6 =	vbroadcast v1, $0xC  }
0x37: {  	v2 =	vld [tilespmem:s14+$0x60]  }
0x38: {  	s16 =	simm.s32 $0x10;
	s15 =	simm.s32 $0x80;
	v5 =	vadd.f32 v5, v3;
	v6 =	vmul.f32 v7, v6;
	v7 =	vbroadcast v1, $0xD;
	v3 =	vld [tilespmem:s14+$0x70]  }
.LBB2_2:
0x39: {  	p0 =	sne.s32 s15, $0x1FC0;
	v8 =	vld [tilespmem:s16+$0x8000]  }
0x3a: {  	s14 =	sadd.s32 $0x100, s14;
	v5 =	vadd.f32 v6, v5;
	v4 =	vmul.f32 v4, v7;
	v6 =	vbroadcast v1, $0xE  }
0x3b: {  	v7 =	vld [tilespmem:s14+$0xFFFFFF80]  }
0x3c: {  	v9 =	vbroadcast v1, $0xF;
	v4 =	vadd.f32 v4, v5;
	v2 =	vmul.f32 v2, v6  }
0x3d: {  	v5 =	vld [tilespmem:s14+$0xFFFFFF90]  }
0x3e: {  	v3 =	vmul.f32 v3, v9;
	v6 =	vbroadcast v8, $0x0;
	v2 =	vadd.f32 v2, v4;
	v1 =	vmovc v8  }
0x3f: {  	v4 =	vld [tilespmem:s14+$0xFFFFFFA0]  }
0x40: {  	v6 =	vmul.f32 v7, v6;
	v7 =	vbroadcast v1, $0x1;
	v2 =	vadd.f32 v3, v2  }
0x41: {  	v3 =	vld [tilespmem:s14+$0xFFFFFFB0]  }
0x42: {  	v2 =	vadd.f32 v6, v2;
	v5 =	vmul.f32 v5, v7;
	v6 =	vbroadcast v1, $0x2  }
0x43: {  	v7 =	vld [tilespmem:s14+$0xFFFFFFC0]  }
0x44: {  	v2 =	vadd.f32 v5, v2;
	v4 =	vmul.f32 v4, v6;
	v5 =	vbroadcast v1, $0x3  }
0x45: {  	v6 =	vld [tilespmem:s14+$0xFFFFFFD0]  }
0x46: {  	v2 =	vadd.f32 v4, v2;
	v3 =	vmul.f32 v3, v5;
	v4 =	vbroadcast v1, $0x4  }
0x47: {  	v5 =	vld [tilespmem:s14+$0xFFFFFFE0]  }
0x48: {  	v2 =	vadd.f32 v3, v2;
	v3 =	vmul.f32 v7, v4;
	v4 =	vbroadcast v1, $0x5  }
0x49: {  	v7 =	vld [tilespmem:s14+$0xFFFFFFF0]  }
0x4a: {  	v2 =	vadd.f32 v3, v2;
	v3 =	vmul.f32 v6, v4;
	v4 =	vbroadcast v1, $0x6  }
0x4b: {  	v6 =	vld [tilespmem:s14+$0x0]  }
0x4c: {  	v2 =	vadd.f32 v3, v2;
	v3 =	vmul.f32 v5, v4;
	v4 =	vbroadcast v1, $0x7  }
0x4d: {  	v5 =	vld [tilespmem:s14+$0x10]  }
0x4e: {  	v2 =	vadd.f32 v3, v2;
	v3 =	vmul.f32 v7, v4;
	v4 =	vbroadcast v1, $0x8  }
0x4f: {  	v7 =	vld [tilespmem:s14+$0x20]  }
0x50: {  	v2 =	vadd.f32 v3, v2;
	v3 =	vmul.f32 v6, v4;
	v4 =	vbroadcast v1, $0x9  }
0x51: {  	v6 =	vld [tilespmem:s14+$0x30]  }
0x52: {  	v2 =	vadd.f32 v3, v2;
	v3 =	vmul.f32 v5, v4;
	v4 =	vbroadcast v1, $0xA  }
0x53: {  	v8 =	vld [tilespmem:s14+$0x40]  }
.Ltmp0:
0x54: {  	v5 =	vbroadcast v1, $0xB;
	v2 =	vadd.f32 v3, v2;
	v3 =	vmul.f32 v7, v4;
	(pc) =	sbr.rel @p0 .LBB2_2-.Ltmp0, $4  }
0x55: {  	v4 =	vld [tilespmem:s14+$0x50]  }
0x56: {  	v3 =	vadd.f32 v3, v2;
	v5 =	vmul.f32 v6, v5;
	v6 =	vbroadcast v1, $0xC  }
0x57: {  	v2 =	vld [tilespmem:s14+$0x60]  }
0x58: {  	s16 =	sshra.s32 s15, $0x2;
	s15 =	sadd.s32 $0x40, s15;
	v7 =	vbroadcast v1, $0xD;
	v5 =	vadd.f32 v5, v3;
	v6 =	vmul.f32 v8, v6;
	v3 =	vld [tilespmem:s14+$0x70]  }
0x59: {  	v8 =	vld [tilespmem:s16+$0x8000]  }
0x5a: {  	v48 =	vbroadcast v1, $0xE;
	s14 =	sadd.s32 $0x100, s14;
	v5 =	vadd.f32 v6, v5;
	v4 =	vmul.f32 v4, v7  }
0x5b: {  	v49 =	vld [tilespmem:s14+$0xFFFFFF80]  }
0x5c: {  	v1 =	vbroadcast v1, $0xF;
	v4 =	vadd.f32 v4, v5;
	v2 =	vmul.f32 v2, v48  }
0x5d: {  	v50 =	vld [tilespmem:s14+$0xFFFFFF90]  }
0x5e: {  	v1 =	vmul.f32 v3, v1;
	v51 =	vbroadcast v8, $0x0;
	v2 =	vadd.f32 v2, v4  }
0x5f: {  	v3 =	vld [tilespmem:s14+$0xFFFFFFA0]  }
0x60: {  	v53 =	vbroadcast v8, $0x1;
	v52 =	vmul.f32 v49, v51;
	v1 =	vadd.f32 v1, v2  }
0x61: {  	v2 =	vld [tilespmem:s14+$0xFFFFFFB0]  }
0x62: {  	v55 =	vbroadcast v8, $0x2;
	v54 =	vmul.f32 v50, v53;
	v1 =	vadd.f32 v52, v1  }
0x63: {  	v56 =	vld [tilespmem:s14+$0xFFFFFFC0]  }
0x64: {  	v57 =	vbroadcast v8, $0x3;
	v3 =	vmul.f32 v3, v55;
	v1 =	vadd.f32 v54, v1  }
0x65: {  	v58 =	vld [tilespmem:s14+$0xFFFFFFD0]  }
0x66: {  	v2 =	vmul.f32 v2, v57;
	v1 =	vadd.f32 v3, v1;
	v3 =	vbroadcast v8, $0x4  }
0x67: {  	v59 =	vld [tilespmem:s14+$0xFFFFFFE0]  }
0x68: {  	v1 =	vadd.f32 v2, v1;
	v2 =	vmul.f32 v56, v3;
	v3 =	vbroadcast v8, $0x5  }
0x69: {  	v60 =	vld [tilespmem:s14+$0xFFFFFFF0]  }
0x6a: {  	v1 =	vadd.f32 v2, v1;
	v2 =	vmul.f32 v58, v3;
	v3 =	vbroadcast v8, $0x6  }
0x6b: {  	v61 =	vld [tilespmem:s14+$0x0]  }
0x6c: {  	v1 =	vadd.f32 v2, v1;
	v2 =	vmul.f32 v59, v3;
	v3 =	vbroadcast v8, $0x7  }
0x6d: {  	v62 =	vld [tilespmem:s14+$0x10]  }
0x6e: {  	v1 =	vadd.f32 v2, v1;
	v2 =	vmul.f32 v60, v3;
	v3 =	vbroadcast v8, $0x8  }
0x6f: {  	v63 =	vld [tilespmem:s14+$0x20]  }
0x70: {  	v1 =	vadd.f32 v2, v1;
	v2 =	vmul.f32 v61, v3;
	v3 =	vbroadcast v8, $0x9  }
0x71: {  	v9 =	vld [tilespmem:s14+$0x30]  }
0x72: {  	v1 =	vadd.f32 v2, v1;
	v2 =	vmul.f32 v62, v3;
	v3 =	vbroadcast v8, $0xA  }
0x73: {  	v10 =	vld [tilespmem:s14+$0x40]  }
0x74: {  	v1 =	vadd.f32 v2, v1;
	v2 =	vmul.f32 v63, v3;
	v3 =	vbroadcast v8, $0xB  }
0x75: {  	v11 =	vld [tilespmem:s14+$0x50]  }
0x76: {  	v1 =	vadd.f32 v2, v1;
	v2 =	vmul.f32 v9, v3;
	v3 =	vbroadcast v8, $0xC  }
0x77: {  	v12 =	vld [tilespmem:s14+$0x60]  }
0x78: {  	v1 =	vadd.f32 v2, v1;
	v2 =	vmul.f32 v10, v3;
	v3 =	vbroadcast v8, $0xD  }
0x79: {  	v13 =	vld [tilespmem:s14+$0x70]  }
0x7a: {  	v1 =	vadd.f32 v2, v1;
	v2 =	vmul.f32 v11, v3;
	v3 =	vbroadcast v8, $0xE;
	_ =	sdelay $0x1  }
0x7b: {  	v1 =	vadd.f32 v2, v1;
	v2 =	vmul.f32 v12, v3;
	v3 =	vbroadcast v8, $0xF  }
0x7c: {  	v14 =	vld [tilespmem:$0x8800]  }
0x7d: {  	v1 =	vadd.f32 v2, v1;
	v2 =	vmul.f32 v13, v3;
	_ =	sdelay $0x1  }
0x7e: {  	v1 =	vadd.f32 v2, v1;
	_ =	sdelay $0x1  }
0x7f: {  	v1 =	vadd.f32 v14, v1;
	_ =	sdelay $0x1  }
0x80: {  	v2 =	vadd.f32 $0.0e+00, v1;
	_ =	sdelay $0x1  }
0x81: {  	v3 =	vbroadcast v1, $0x1;
	v2 =	vbroadcast v2, $0x0  }
0x82: {  	v15 =	vbroadcast v1, $0x2  }
0x83: {  	v2 =	vmax.f32 v2, v3;
	v3 =	vbroadcast v1, $0x3  }
0x84: {  	v16 =	vbroadcast v1, $0x4;
	v2 =	vmax.f32 v2, v15  }
0x85: {  	v2 =	vmax.f32 v2, v3;
	v3 =	vbroadcast v1, $0x5  }
0x86: {  	v17 =	vbroadcast v1, $0x6;
	v2 =	vmax.f32 v2, v16  }
0x87: {  	v2 =	vmax.f32 v2, v3;
	v3 =	vbroadcast v1, $0x7  }
0x88: {  	v18 =	vbroadcast v1, $0x8;
	v2 =	vmax.f32 v2, v17  }
0x89: {  	v2 =	vmax.f32 v2, v3;
	v3 =	vbroadcast v1, $0x9  }
0x8a: {  	v19 =	vbroadcast v1, $0xA;
	v2 =	vmax.f32 v2, v18  }
0x8b: {  	v2 =	vmax.f32 v2, v3;
	v3 =	vbroadcast v1, $0xB  }
0x8c: {  	v20 =	vbroadcast v1, $0xC;
	v2 =	vmax.f32 v2, v19  }
0x8d: {  	v2 =	vmax.f32 v2, v3;
	v3 =	vbroadcast v1, $0xD  }
0x8e: {  	v21 =	vbroadcast v1, $0xE;
	v2 =	vmax.f32 v2, v20  }
0x8f: {  	v2 =	vmax.f32 v2, v3;
	v3 =	vbroadcast v1, $0xF  }
0x90: {  	v2 =	vmax.f32 v2, v21  }
0x91: {  	v2 =	vmax.f32 v2, v3  }
0x92: {  	vm0 =	veq.f32 v1, v2  }
0x93: {  	v3 =	vnsel vm0, $0x10, v0  }
0x94: {  	v22 =	vbroadcast v3, $0x0;
	v23 =	vbroadcast v3, $0x1  }
0x95: {  	v24 =	vbroadcast v3, $0x2  }
0x96: {  	v25 =	vbroadcast v3, $0x3;
	v4 =	vmin.u32 v22, v23  }
0x97: {  	v26 =	vbroadcast v3, $0x4;
	v4 =	vmin.u32 v4, v24  }
0x98: {  	v27 =	vbroadcast v3, $0x5;
	v4 =	vmin.u32 v4, v25  }
0x99: {  	v4 =	vmin.u32 v4, v26  }
0x9a: {  	v28 =	vbroadcast v3, $0x6;
	vm14 =	vlt.s32 v4, v27  }
0x9b: {  	v4 =	vsel vm14, v4, v27  }
0x9c: {  	v29 =	vbroadcast v3, $0x7;
	vm0 =	vlt.s32 v4, v28  }
0x9d: {  	v4 =	vsel vm0, v4, v28  }
0x9e: {  	v30 =	vbroadcast v3, $0x8;
	vm0 =	vlt.s32 v4, v29  }
0x9f: {  	v4 =	vsel vm0, v4, v29  }
0xa0: {  	v31 =	vbroadcast v3, $0x9;
	vm0 =	vlt.s32 v4, v30  }
0xa1: {  	v4 =	vsel vm0, v4, v30  }
0xa2: {  	v32 =	vbroadcast v3, $0xA;
	vm0 =	vlt.s32 v4, v31  }
0xa3: {  	v4 =	vsel vm0, v4, v31  }
0xa4: {  	v33 =	vbroadcast v3, $0xB;
	vm0 =	vlt.s32 v4, v32  }
0xa5: {  	v4 =	vsel vm0, v4, v32  }
0xa6: {  	v34 =	vbroadcast v3, $0xC;
	vm0 =	vlt.s32 v4, v33  }
0xa7: {  	v4 =	vsel vm0, v4, v33  }
0xa8: {  	v35 =	vbroadcast v3, $0xD;
	vm0 =	vlt.s32 v4, v34  }
0xa9: {  	v4 =	vsel vm0, v4, v34  }
0xaa: {  	v36 =	vbroadcast v3, $0xE;
	vm0 =	vlt.s32 v4, v35  }
0xab: {  	v4 =	vsel vm0, v4, v35  }
0xac: {  	v3 =	vbroadcast v3, $0xF;
	vm0 =	vlt.s32 v4, v36  }
0xad: {  	v4 =	vsel vm0, v4, v36  }
0xae: {  	vm0 =	vlt.s32 v4, v3  }
0xaf: {  	v3 =	vsel vm0, v4, v3  }
0xb0: {  	vm0 =	veq.s32 v3, v0  }
0xb1: {  	v1 =	vsel vm0, $0xFF800000, v1  }
0xb2: {  	v3 =	vadd.f32 $0.0e+00, v1;
	_ =	sdelay $0x1  }
0xb3: {  	v37 =	vbroadcast v1, $0x1;
	v3 =	vbroadcast v3, $0x0  }
0xb4: {  	v38 =	vbroadcast v1, $0x2  }
0xb5: {  	v39 =	vbroadcast v1, $0x3;
	v3 =	vmax.f32 v3, v37  }
0xb6: {  	v40 =	vbroadcast v1, $0x4;
	v3 =	vmax.f32 v3, v38  }
0xb7: {  	v41 =	vbroadcast v1, $0x5;
	v3 =	vmax.f32 v3, v39  }
0xb8: {  	v42 =	vbroadcast v1, $0x6;
	v3 =	vmax.f32 v3, v40  }
0xb9: {  	v43 =	vbroadcast v1, $0x7;
	v3 =	vmax.f32 v3, v41  }
0xba: {  	v44 =	vbroadcast v1, $0x8;
	v3 =	vmax.f32 v3, v42  }
0xbb: {  	v45 =	vbroadcast v1, $0x9;
	v3 =	vmax.f32 v3, v43  }
0xbc: {  	v46 =	vbroadcast v1, $0xA;
	v3 =	vmax.f32 v3, v44  }
0xbd: {  	v47 =	vbroadcast v1, $0xB;
	v3 =	vmax.f32 v3, v45  }
0xbe: {  	v48 =	vbroadcast v1, $0xC;
	v3 =	vmax.f32 v3, v46  }
0xbf: {  	v49 =	vbroadcast v1, $0xD;
	v3 =	vmax.f32 v3, v47  }
0xc0: {  	v50 =	vbroadcast v1, $0xE;
	v3 =	vmax.f32 v3, v48  }
0xc1: {  	v51 =	vbroadcast v1, $0xF;
	v3 =	vmax.f32 v3, v49  }
0xc2: {  	v3 =	vmax.f32 v3, v50  }
0xc3: {  	v3 =	vmax.f32 v3, v51  }
0xc4: {  	vm1 =	veq.f32 v1, v3  }
0xc5: {  	v1 =	vnsel vm1, $0x10, v0  }
0xc6: {  	v52 =	vbroadcast v1, $0x0;
	v53 =	vbroadcast v1, $0x1  }
0xc7: {  	v2 =	vsub.f32 v3, v2;
	v54 =	vbroadcast v1, $0x2  }
0xc8: {  	v55 =	vbroadcast v1, $0x3;
	v3 =	vmin.u32 v52, v53  }
0xc9: {  	v56 =	vbroadcast v1, $0x4;
	v2 =	vmul.f32 $1.442695020e+00, v2;
	v3 =	vmin.u32 v3, v54  }
0xca: {  	v57 =	vbroadcast v1, $0x5;
	v3 =	vmin.u32 v3, v55  }
0xcb: {  	(erf) = vpow2.f32 v2;
	v3 =	vmin.u32 v3, v56  }
0xcc: {  	v2 =	vbroadcast v1, $0x6;
	vm15 =	vlt.s32 v3, v57  }
0xcd: {  	v3 =	vsel vm15, v3, v57  }
0xce: {  	v58 =	vbroadcast v1, $0x7;
	vm1 =	vlt.s32 v3, v2  }
0xcf: {  	v2 =	vsel vm1, v3, v2  }
0xd0: {  	v3 =	vbroadcast v1, $0x8;
	vm1 =	vlt.s32 v2, v58  }
0xd1: {  	v2 =	vsel vm1, v2, v58  }
0xd2: {  	v59 =	vbroadcast v1, $0x9;
	vm1 =	vlt.s32 v2, v3  }
0xd3: {  	v2 =	vsel vm1, v2, v3  }
0xd4: {  	v60 =	vpop (erf);
	v3 =	vbroadcast v1, $0xA;
	vm1 =	vlt.s32 v2, v59  }
0xd5: {  	v61 =	vadd.f32 $1.000000000e+00, v60;
	v2 =	vsel vm1, v2, v59  }
0xd6: {  	v62 =	vbroadcast v1, $0xB;
	vm1 =	vlt.s32 v2, v3  }
0xd7: {  	(erf) = vrcp.f32 v61;
	v2 =	vsel vm1, v2, v3  }
0xd8: {  	v3 =	vbroadcast v1, $0xC;
	vm1 =	vlt.s32 v2, v62  }
0xd9: {  	v2 =	vsel vm1, v2, v62  }
0xda: {  	v63 =	vbroadcast v1, $0xD;
	vm1 =	vlt.s32 v2, v3  }
0xdb: {  	v2 =	vsel vm1, v2, v3  }
0xdc: {  	v3 =	vbroadcast v1, $0xE;
	vm1 =	vlt.s32 v2, v63  }
0xdd: {  	v2 =	vsel vm1, v2, v63  }
0xde: {  	v1 =	vbroadcast v1, $0xF;
	vm1 =	vlt.s32 v2, v3  }
0xdf: {  	v2 =	vsel vm1, v2, v3  }
0xe0: {  	v3 =	vpop (erf);
	vm1 =	vlt.s32 v2, v1  }
0xe1: {  	v1 =	vsel vm1, v2, v1;
	v2 =	vmul.f32 v3, v60  }
0xe2: {  	vm1 =	veq.s32 v1, v0  }
0xe3: {  	s13 =	sadd.s32 $0x1, s13;
	v1 =	vnsel vm1, $0x0, v2  }
0xe4: {  	p0 =	sne.s32 s13, s7;
	v1 =	vsel vm0, v3, v1  }
.Ltmp1:
0xe5: {  	[tilespmem:$0x8880] =	vst v1;
	(pc) =	sbr.rel @p0 .LBB2_1-.Ltmp1, $4  }
0xe6: {  	[hbm4b:s6+s4] =	stream.linear.scatter [tilespmem:s12], [sflag:$0x1], $0x80, $0x38;
	[tilespmem:$0x8900] =	vst v63  }
0xe7: {  	_ =	swait.ge [sflag:s8], $0x80  }
0xe8: {  	[sflag:s8] =	ssyncset.done $0x0  }
0xe9: {  	[sflag:s8] =	ssyncadd.s32 $0xFFFFFF80  }
0xea: {  	_ =	sfence.sel $0x180000  }
0xeb: {  	[bflag:$0x0] =	sbarrier.arrive $0xFFFF  }
0xec: {  	p0 =	sne.s32 s3, $0x0;
	_ =	strace $0x90000047  }
0xed: {  	s0 =	sadd.s32 @!p0 $0x100000, s0;
	[bflag:$0x2] =	sbarrier.arrive $0xFFFF  }
0xee: {  	[sflag:s0] =	ssyncadd.tile.s32 @!p0 $0x1;
	_ =	shalt  }
.Lfunc_end2:
_tile_overlayer_lowered:
.L_overlay_start_2:
0xef: {  	(tag) =	ssettag $0x2  }
0xf0: {  	s0 =	rddreg [dreg:$0x0];
	s2 =	stileid.u32  }
0xf1: {  	s1 =	rddreg [dreg:$0x1];
	p0 =	sne.s32 s2, $0x0  }
0xf2: {  	s3 =	rddreg [dreg:$0x2];
	[bflag:$0x3] =	sbarrier.arrive $0xFFFF;
	s2 =	simm.s32 @!p0 $0x1C01  }
0xf3: {  	[timem:s3], [sflag:s2] =	dma.local @!p0 [hbm:s0], s1  }
0xf4: {  	s0 =	simm.s32 @!p0 $0x1  }
0xf5: {  	_ =	swait.ge @!p0 [sflag:s0], s1  }
0xf6: {  	s1 =	ssub.s32 @!p0 $0x0, s1;
	[sflag:s0] =	ssyncset.done @!p0 $0x0  }
0xf7: {  	[sflag:s0] =	ssyncadd.s32 @!p0 s1  }
0xf8: {  	[bflag:$0x3] =	sbarrier.arrive $0xFFFF  }
0xf9: {  	_ =	shalt  }

</sc_bundles>
